<compile_context>
chip_gen: v7x
topology: tpu7x:2x2x1
jax: 0.10.2.dev20260603
libtpu: 0.0.44.dev20260713+nightly
codegen_flags: <defaults>
</compile_context>

<pallas_src>
import functools

import jax
import jax.numpy as jnp
from jax import lax
from jax.experimental import pallas as pl
from jax.experimental.pallas import tpu as pltpu
from jax.experimental.pallas import tpu_sc as plsc

_LANES = 16
_NC, _NS = 2, 16
_NW = _NC * _NS


def _hist_body(L, V, P, rows_per_w, idx_hbm, counts_hbm, idx_v, c_a, c_b,
               sem_a, sem_b):
    wid = lax.axis_index("s") * _NC + lax.axis_index("c")
    row0 = wid * rows_per_w
    pltpu.sync_copy(idx_hbm.at[pl.ds(row0, rows_per_w), :], idx_v)

    n_full = L // _LANES
    rem = L % _LANES
    lane = lax.iota(jnp.int32, _LANES)
    ones = jnp.ones((_LANES,), jnp.float32)
    zeros = jnp.zeros((_LANES,), jnp.float32)
    full_p = lane * V
    tail_p = jnp.mod(lane + L, _LANES) * V
    tail_mask = lane >= (_LANES - rem)

    def cidx_list(r):
        out = []
        for g in range(n_full):
            out.append(idx_v[r, pl.ds(g * _LANES, _LANES)] + full_p)
        if rem:
            out.append(idx_v[r, pl.ds(L - _LANES, _LANES)] + tail_p)
        return out

    def accumulate(r, buf):
        cs = cidx_list(r)
        for c in cs[:n_full]:
            plsc.addupdate_scatter(buf, [c], ones)
        if rem:
            plsc.addupdate_scatter(buf, [cs[-1]], ones, mask=tail_mask)

    def rezero(r, buf):
        cs = cidx_list(r)
        for c in cs[:n_full]:
            plsc.store_scatter(buf, [c], zeros)
        if rem:
            plsc.store_scatter(buf, [cs[-1]], zeros, mask=tail_mask)

    def zero_all(buf):
        def zb(i, _):
            buf[pl.ds(i * _LANES, _LANES)] = zeros
            return 0
        lax.fori_loop(0, (P * V) // _LANES, zb, 0)

    bufs = (c_a, c_b)
    sems = (sem_a, sem_b)
    nb = len(bufs)
    for b in bufs:
        zero_all(b)

    for k in range(nb):
        accumulate(k, bufs[k])
        pltpu.async_copy(bufs[k], counts_hbm.at[row0 + k], sems[k])

    def ring_body(i, _):
        r = nb * i
        for k in range(nb):
            buf, sem = bufs[k], sems[k]
            pltpu.make_async_copy(
                buf, counts_hbm.at[row0 + r + k - nb], sem).wait()
            rezero(r + k - nb, buf)
            accumulate(r + k, buf)
            pltpu.async_copy(buf, counts_hbm.at[row0 + r + k], sem)
        return 0

    lax.fori_loop(1, rows_per_w // nb, ring_body, 0)
    for k in range(nb):
        pltpu.make_async_copy(
            bufs[k], counts_hbm.at[row0 + rows_per_w - nb + k], sems[k]).wait()


def _mm_body(n_pos, v, counts_ref, e_ref, p_ref, out_ref, t_hi):

    @pl.when(pl.program_id(0) == 0)
    def _build_t():
        e = e_ref[...]
        for p in range(n_pos):
            t = e * p_ref[p, :][None, :]
            t_hi[p * v:(p + 1) * v, :] = t.astype(jnp.bfloat16)

    cb = counts_ref[...].astype(jnp.bfloat16)
    acc = jnp.dot(cb, t_hi[...], preferred_element_type=jnp.float32)
    inv = lax.rsqrt(jnp.sum(acc * acc, axis=1, keepdims=True))
    out_ref[...] = acc * inv


def kernel(indices, embeddings, pos_encodings):
    B, L = indices.shape
    V, D = embeddings.shape
    P = pos_encodings.shape[0]
    rows_per_w = B // _NW
    assert B % _NW == 0 and L >= _LANES and rows_per_w % 2 == 0

    mesh = plsc.VectorSubcoreMesh(core_axis_name="c", subcore_axis_name="s")
    hist = pl.kernel(
        functools.partial(_hist_body, L, V, P, rows_per_w),
        out_type=jax.ShapeDtypeStruct((B, P * V), jnp.float32),
        mesh=mesh,
        compiler_params=pltpu.CompilerParams(needs_layout_passes=False),
        scratch_types=[
            pltpu.VMEM((rows_per_w, L), jnp.int32),
            pltpu.VMEM((P * V,), jnp.float32),
            pltpu.VMEM((P * V,), jnp.float32),
            pltpu.SemaphoreType.DMA,
            pltpu.SemaphoreType.DMA,
        ],
    )
    counts = hist(indices)

    bt = 512
    out = pl.pallas_call(
        functools.partial(_mm_body, P, V),
        grid=(B // bt,),
        in_specs=[
            pl.BlockSpec((bt, P * V), lambda i: (i, 0)),
            pl.BlockSpec((V, D), lambda i: (0, 0)),
            pl.BlockSpec((P, D), lambda i: (0, 0)),
        ],
        out_specs=pl.BlockSpec((bt, D), lambda i: (i, 0)),
        out_shape=jax.ShapeDtypeStruct((B, D), jnp.float32),
        scratch_shapes=[
            pltpu.VMEM((P * V, D), jnp.bfloat16),
        ],
    )(counts, embeddings, pos_encodings)
    return out

# --- scband reference (transcript-rebuilt; emitter-appended) ---
"""Pipeline reference for scband-trainable-vsa-57329223467250 (READ-ONLY COPY).

The authoritative reference and input builder live on the scoring server;
editing this copy changes nothing except your own understanding.
"""

import jax, jax.numpy as jnp
import numpy as np

N_SYMBOLS = 256
N_DIMS = 512
MAX_POS = 16
B = 1024
L = 200


def setup_inputs(seed: int = 0) -> dict:
    key = jax.random.key(seed)
    k1, k2, k3 = jax.random.split(key, 3)
    embeddings = jax.random.normal(k1, (N_SYMBOLS, N_DIMS), dtype=jnp.float32)
    embeddings = embeddings / jnp.linalg.norm(embeddings, axis=1, keepdims=True)
    pos_encodings = jax.random.normal(k2, (MAX_POS, N_DIMS), dtype=jnp.float32)
    pos_encodings = pos_encodings / jnp.linalg.norm(pos_encodings, axis=1, keepdims=True)
    indices = jax.random.randint(k3, (B, L), 0, N_SYMBOLS, dtype=jnp.int32)
    return {"indices": indices, "embeddings": embeddings, "pos_encodings": pos_encodings}


def reference(indices, embeddings, pos_encodings):
    # Batched, faithful translation of TrainableVSA.encode_sequence:
    #   for each position i: bind(embeddings[sym_i], pos_encodings[i % max_pos])
    #   bundle = sum over positions, then L2-normalize.
    seq_len = indices.shape[1]
    pos_idx = jnp.arange(seq_len) % MAX_POS                     # [L]
    v = jnp.take(embeddings, indices, axis=0)                   # [B, L, D] gather (embedding lookup)
    p = jnp.take(pos_encodings, pos_idx, axis=0)                # [L, D] gather
    bound = v * p[None, :, :]                                   # bind (elementwise product)
    bundled = jnp.sum(bound, axis=1)                            # bundle (sum over sequence)
    out = bundled / jnp.linalg.norm(bundled, axis=1, keepdims=True)
    return out

if __name__ == "__main__":
    import jax
    _d = setup_inputs()
    print(jax.jit(kernel)(*tuple(_d.values())))

</pallas_src>

<mosaic_0001>
#map = affine_map<(d0, d1) -> (0, 0)>
module attributes {stable_mosaic.version = 14 : i64} {
  func.func @_hist_body(%arg0: i32, %arg1: i32, %arg2: memref<1024x200xi32, #tpu.memory_space<hbm>>, %arg3: memref<1024x4096xf32, #tpu.memory_space<hbm>>, %arg4: memref<32x200xi32, #tpu.memory_space<vmem>>, %arg5: memref<4096xf32, #tpu.memory_space<vmem>>, %arg6: memref<4096xf32, #tpu.memory_space<vmem>>, %arg7: memref<!tpu.dma_semaphore, #tpu.memory_space<semaphore_mem>>, %arg8: memref<!tpu.dma_semaphore, #tpu.memory_space<semaphore_mem>>) attributes {dimension_semantics = [#tpu.dimension_semantics<core_parallel>, #tpu.dimension_semantics<subcore_parallel>], iteration_bounds = array<i64: 2, 16>, scalar_prefetch = 0 : i64, scratch_operands = 5 : i64, tpu.core_type = #tpu.core_type<sc_vector_subcore>, window_params = [{transform_indices = #map}, {transform_indices = #map}]} {
    %mul3A = arith.constant 2 : i32
    %mul3A_0 = arith.muli %arg1, %mul3A : i32
    %add3A = arith.addi %mul3A_0, %arg0 : i32
    %mul3A_1 = arith.constant 32 : i32
    %mul3A_2 = arith.muli %add3A, %mul3A_1 : i32
    "tpu.region"() ({
      %run_scoped3A = tpu.sem_alloc : memref<!tpu.dma_semaphore, #tpu.memory_space<semaphore_mem>>
      %dma_start3A_218 = arith.constant 0 : i32
      %dma_start3A_219 = tpu.memref_slice %arg2[%mul3A_2, %dma_start3A_218] : memref<1024x200xi32, #tpu.memory_space<hbm>> -> memref<32x200xi32, #tpu.memory_space<hbm>>
      %dma_start3A_220 = arith.constant 0 : i32
      %dma_start3A_221 = tpu.memref_slice %arg2[%mul3A_2, %dma_start3A_220] : memref<1024x200xi32, #tpu.memory_space<hbm>> -> memref<32x200xi32, #tpu.memory_space<hbm>>
      tpu.enqueue_dma source(%dma_start3A_221 : memref<32x200xi32, #tpu.memory_space<hbm>>) target(%arg4 : memref<32x200xi32, #tpu.memory_space<vmem>>) target_semaphore(%run_scoped3A : memref<!tpu.dma_semaphore, #tpu.memory_space<semaphore_mem>>)
      %dma_wait3A_222 = arith.constant 0 : i32
      %dma_wait3A_223 = tpu.memref_slice %arg2[%mul3A_2, %dma_wait3A_222] : memref<1024x200xi32, #tpu.memory_space<hbm>> -> memref<32x200xi32, #tpu.memory_space<hbm>>
      %dma_wait3A_224 = arith.constant 0 : i32
      %dma_wait3A_225 = tpu.memref_slice %arg2[%mul3A_2, %dma_wait3A_224] : memref<1024x200xi32, #tpu.memory_space<hbm>> -> memref<32x200xi32, #tpu.memory_space<hbm>>
      tpu.wait_dma2 semaphore(%run_scoped3A : memref<!tpu.dma_semaphore, #tpu.memory_space<semaphore_mem>>) src(%dma_wait3A_225 : memref<32x200xi32, #tpu.memory_space<hbm>>) dst(%arg4 : memref<32x200xi32, #tpu.memory_space<vmem>>)
      tpu.yield
    }) : () -> ()
    %iota3A = tpu.iota {dimensions = array<i32: 0>} : vector<16xi32>
    %broadcast_in_dim3A = arith.constant 1.000000e+00 : f32
    %broadcast_in_dim3A_3 = vector.broadcast %broadcast_in_dim3A : f32 to vector<16xf32>
    %broadcast_in_dim3A_4 = arith.constant 0.000000e+00 : f32
    %broadcast_in_dim3A_5 = vector.broadcast %broadcast_in_dim3A_4 : f32 to vector<16xf32>
    %mul3A_6 = arith.constant 256 : i32
    %mul3A_7 = vector.broadcast %mul3A_6 : i32 to vector<16xi32>
    %mul3A_8 = arith.muli %iota3A, %mul3A_7 : vector<16xi32>
    %add3A_9 = arith.constant 200 : i32
    %add3A_10 = vector.broadcast %add3A_9 : i32 to vector<16xi32>
    %add3A_11 = arith.addi %iota3A, %add3A_10 : vector<16xi32>
    %jit3A = arith.constant 16 : i32
    %eq3A = arith.constant 0 : i32
    %eq3A_12 = arith.cmpi eq, %jit3A, %eq3A : i32
    %jit3A_13 = arith.constant 1 : i32
    %select_n3A = arith.select %eq3A_12, %jit3A_13, %jit3A : i32
    %rem3A = vector.broadcast %select_n3A : i32 to vector<16xi32>
    %rem3A_14 = arith.remsi %add3A_11, %rem3A : vector<16xi32>
    %ne3A = arith.constant 0 : i32
    %ne3A_15 = vector.broadcast %ne3A : i32 to vector<16xi32>
    %ne3A_16 = arith.cmpi ne, %rem3A_14, %ne3A_15 : vector<16xi32>
    %lt3A = arith.constant 0 : i32
    %lt3A_17 = vector.broadcast %lt3A : i32 to vector<16xi32>
    %lt3A_18 = arith.cmpi slt, %rem3A_14, %lt3A_17 : vector<16xi32>
    %lt3A_19 = arith.constant 0 : i32
    %lt3A_20 = arith.cmpi slt, %select_n3A, %lt3A_19 : i32
    %ne3A_21 = vector.broadcast %lt3A_20 : i1 to vector<16xi1>
    %ne3A_22 = vector.broadcast %ne3A_21 : vector<16xi1> to vector<16xi1>
    %ne3A_23 = arith.xori %lt3A_18, %ne3A_22 : vector<16xi1>
    %and3A = arith.andi %ne3A_23, %ne3A_16 : vector<16xi1>
    %add3A_24 = vector.broadcast %select_n3A : i32 to vector<16xi32>
    %add3A_25 = arith.addi %rem3A_14, %add3A_24 : vector<16xi32>
    %select_n3A_26 = arith.select %and3A, %add3A_25, %rem3A_14 : vector<16xi1>, vector<16xi32>
    %mul3A_27 = arith.constant 256 : i32
    %mul3A_28 = vector.broadcast %mul3A_27 : i32 to vector<16xi32>
    %mul3A_29 = arith.muli %select_n3A_26, %mul3A_28 : vector<16xi32>
    %ge3A = arith.constant 8 : i32
    %ge3A_30 = vector.broadcast %ge3A : i32 to vector<16xi32>
    %ge3A_31 = arith.cmpi sge, %iota3A, %ge3A_30 : vector<16xi32>
    %scan3A = arith.constant 0 : i32
    %scan3A_32 = arith.constant 0 : i32
    %scan3A_33 = arith.constant 256 : i32
    %scan3A_34 = arith.addi %scan3A_32, %scan3A_33 : i32
    %scan3A_35 = arith.constant 1 : i32
    %scan3A_36 = scf.for %scan3A_218 = %scan3A_32 to %scan3A_34 step %scan3A_35 iter_args(%scan3A_219 = %scan3A) -> (i32)  : i32 {
      %mul3A_220 = arith.constant 16 : i32
      %mul3A_221 = arith.muli %scan3A_218, %mul3A_220 : i32
      %swap3A = arith.index_cast %mul3A_221 : i32 to index
      %swap3A_222 = tpu.vector_load %arg5[%swap3A] {strides = array<i32>} : memref<4096xf32, #tpu.memory_space<vmem>>, vector<16xf32>,
      tpu.vector_store %arg5[%swap3A], %broadcast_in_dim3A_5 {strides = array<i32>} : memref<4096xf32, #tpu.memory_space<vmem>>, vector<16xf32>,
      %scan3A_223 = arith.constant 0 : i32
      scf.yield %scan3A_223 : i32
    }
    %scan3A_37 = arith.constant 256 : i32
    %scan3A_38 = arith.constant 0 : i32
    %scan3A_39 = arith.constant 0 : i32
    %scan3A_40 = arith.constant 256 : i32
    %scan3A_41 = arith.addi %scan3A_39, %scan3A_40 : i32
    %scan3A_42 = arith.constant 1 : i32
    %scan3A_43 = scf.for %scan3A_218 = %scan3A_39 to %scan3A_41 step %scan3A_42 iter_args(%scan3A_219 = %scan3A_38) -> (i32)  : i32 {
      %mul3A_220 = arith.constant 16 : i32
      %mul3A_221 = arith.muli %scan3A_218, %mul3A_220 : i32
      %swap3A = arith.index_cast %mul3A_221 : i32 to index
      %swap3A_222 = tpu.vector_load %arg6[%swap3A] {strides = array<i32>} : memref<4096xf32, #tpu.memory_space<vmem>>, vector<16xf32>,
      tpu.vector_store %arg6[%swap3A], %broadcast_in_dim3A_5 {strides = array<i32>} : memref<4096xf32, #tpu.memory_space<vmem>>, vector<16xf32>,
      %scan3A_223 = arith.constant 0 : i32
      scf.yield %scan3A_223 : i32
    }
    %scan3A_44 = arith.constant 256 : i32
    %get3A = arith.constant 0 : i32
    %get3A_45 = arith.index_cast %get3A : i32 to index
    %get3A_46 = arith.constant 0 : index
    %get3A_47 = tpu.vector_load %arg4[%get3A_45, %get3A_46] {strides = array<i32>} : memref<32x200xi32, #tpu.memory_space<vmem>>, vector<16xi32>,
    %add3A_48 = arith.addi %get3A_47, %mul3A_8 : vector<16xi32>
    %get3A_49 = arith.constant 0 : i32
    %get3A_50 = arith.index_cast %get3A_49 : i32 to index
    %get3A_51 = arith.constant 16 : index
    %get3A_52 = tpu.vector_load %arg4[%get3A_50, %get3A_51] {strides = array<i32>} : memref<32x200xi32, #tpu.memory_space<vmem>>, vector<16xi32>,
    %add3A_53 = arith.addi %get3A_52, %mul3A_8 : vector<16xi32>
    %get3A_54 = arith.constant 0 : i32
    %get3A_55 = arith.index_cast %get3A_54 : i32 to index
    %get3A_56 = arith.constant 32 : index
    %get3A_57 = tpu.vector_load %arg4[%get3A_55, %get3A_56] {strides = array<i32>} : memref<32x200xi32, #tpu.memory_space<vmem>>, vector<16xi32>,
    %add3A_58 = arith.addi %get3A_57, %mul3A_8 : vector<16xi32>
    %get3A_59 = arith.constant 0 : i32
    %get3A_60 = arith.index_cast %get3A_59 : i32 to index
    %get3A_61 = arith.constant 48 : index
    %get3A_62 = tpu.vector_load %arg4[%get3A_60, %get3A_61] {strides = array<i32>} : memref<32x200xi32, #tpu.memory_space<vmem>>, vector<16xi32>,
    %add3A_63 = arith.addi %get3A_62, %mul3A_8 : vector<16xi32>
    %get3A_64 = arith.constant 0 : i32
    %get3A_65 = arith.index_cast %get3A_64 : i32 to index
    %get3A_66 = arith.constant 64 : index
    %get3A_67 = tpu.vector_load %arg4[%get3A_65, %get3A_66] {strides = array<i32>} : memref<32x200xi32, #tpu.memory_space<vmem>>, vector<16xi32>,
    %add3A_68 = arith.addi %get3A_67, %mul3A_8 : vector<16xi32>
    %get3A_69 = arith.constant 0 : i32
    %get3A_70 = arith.index_cast %get3A_69 : i32 to index
    %get3A_71 = arith.constant 80 : index
    %get3A_72 = tpu.vector_load %arg4[%get3A_70, %get3A_71] {strides = array<i32>} : memref<32x200xi32, #tpu.memory_space<vmem>>, vector<16xi32>,
    %add3A_73 = arith.addi %get3A_72, %mul3A_8 : vector<16xi32>
    %get3A_74 = arith.constant 0 : i32
    %get3A_75 = arith.index_cast %get3A_74 : i32 to index
    %get3A_76 = arith.constant 96 : index
    %get3A_77 = tpu.vector_load %arg4[%get3A_75, %get3A_76] {strides = array<i32>} : memref<32x200xi32, #tpu.memory_space<vmem>>, vector<16xi32>,
    %add3A_78 = arith.addi %get3A_77, %mul3A_8 : vector<16xi32>
    %get3A_79 = arith.constant 0 : i32
    %get3A_80 = arith.index_cast %get3A_79 : i32 to index
    %get3A_81 = arith.constant 112 : index
    %get3A_82 = tpu.vector_load %arg4[%get3A_80, %get3A_81] {strides = array<i32>} : memref<32x200xi32, #tpu.memory_space<vmem>>, vector<16xi32>,
    %add3A_83 = arith.addi %get3A_82, %mul3A_8 : vector<16xi32>
    %get3A_84 = arith.constant 0 : i32
    %get3A_85 = arith.index_cast %get3A_84 : i32 to index
    %get3A_86 = arith.constant 128 : index
    %get3A_87 = tpu.vector_load %arg4[%get3A_85, %get3A_86] {strides = array<i32>} : memref<32x200xi32, #tpu.memory_space<vmem>>, vector<16xi32>,
    %add3A_88 = arith.addi %get3A_87, %mul3A_8 : vector<16xi32>
    %get3A_89 = arith.constant 0 : i32
    %get3A_90 = arith.index_cast %get3A_89 : i32 to index
    %get3A_91 = arith.constant 144 : index
    %get3A_92 = tpu.vector_load %arg4[%get3A_90, %get3A_91] {strides = array<i32>} : memref<32x200xi32, #tpu.memory_space<vmem>>, vector<16xi32>,
    %add3A_93 = arith.addi %get3A_92, %mul3A_8 : vector<16xi32>
    %get3A_94 = arith.constant 0 : i32
    %get3A_95 = arith.index_cast %get3A_94 : i32 to index
    %get3A_96 = arith.constant 160 : index
    %get3A_97 = tpu.vector_load %arg4[%get3A_95, %get3A_96] {strides = array<i32>} : memref<32x200xi32, #tpu.memory_space<vmem>>, vector<16xi32>,
    %add3A_98 = arith.addi %get3A_97, %mul3A_8 : vector<16xi32>
    %get3A_99 = arith.constant 0 : i32
    %get3A_100 = arith.index_cast %get3A_99 : i32 to index
    %get3A_101 = arith.constant 176 : index
    %get3A_102 = tpu.vector_load %arg4[%get3A_100, %get3A_101] {strides = array<i32>} : memref<32x200xi32, #tpu.memory_space<vmem>>, vector<16xi32>,
    %add3A_103 = arith.addi %get3A_102, %mul3A_8 : vector<16xi32>
    %get3A_104 = arith.constant 0 : i32
    %get3A_105 = arith.index_cast %get3A_104 : i32 to index
    %get3A_106 = arith.constant 184 : index
    %get3A_107 = tpu.vector_load %arg4[%get3A_105, %get3A_106] {strides = array<i32>} : memref<32x200xi32, #tpu.memory_space<vmem>>, vector<16xi32>,
    %add3A_108 = arith.addi %get3A_107, %mul3A_29 : vector<16xi32>
    tpu.vector_store_idx %arg5[%add3A_48], %broadcast_in_dim3A_3 {add = true} : memref<4096xf32, #tpu.memory_space<vmem>>[vector<16xi32>], vector<16xf32>,
    tpu.vector_store_idx %arg5[%add3A_53], %broadcast_in_dim3A_3 {add = true} : memref<4096xf32, #tpu.memory_space<vmem>>[vector<16xi32>], vector<16xf32>,
    tpu.vector_store_idx %arg5[%add3A_58], %broadcast_in_dim3A_3 {add = true} : memref<4096xf32, #tpu.memory_space<vmem>>[vector<16xi32>], vector<16xf32>,
    tpu.vector_store_idx %arg5[%add3A_63], %broadcast_in_dim3A_3 {add = true} : memref<4096xf32, #tpu.memory_space<vmem>>[vector<16xi32>], vector<16xf32>,
    tpu.vector_store_idx %arg5[%add3A_68], %broadcast_in_dim3A_3 {add = true} : memref<4096xf32, #tpu.memory_space<vmem>>[vector<16xi32>], vector<16xf32>,
    tpu.vector_store_idx %arg5[%add3A_73], %broadcast_in_dim3A_3 {add = true} : memref<4096xf32, #tpu.memory_space<vmem>>[vector<16xi32>], vector<16xf32>,
    tpu.vector_store_idx %arg5[%add3A_78], %broadcast_in_dim3A_3 {add = true} : memref<4096xf32, #tpu.memory_space<vmem>>[vector<16xi32>], vector<16xf32>,
    tpu.vector_store_idx %arg5[%add3A_83], %broadcast_in_dim3A_3 {add = true} : memref<4096xf32, #tpu.memory_space<vmem>>[vector<16xi32>], vector<16xf32>,
    tpu.vector_store_idx %arg5[%add3A_88], %broadcast_in_dim3A_3 {add = true} : memref<4096xf32, #tpu.memory_space<vmem>>[vector<16xi32>], vector<16xf32>,
    tpu.vector_store_idx %arg5[%add3A_93], %broadcast_in_dim3A_3 {add = true} : memref<4096xf32, #tpu.memory_space<vmem>>[vector<16xi32>], vector<16xf32>,
    tpu.vector_store_idx %arg5[%add3A_98], %broadcast_in_dim3A_3 {add = true} : memref<4096xf32, #tpu.memory_space<vmem>>[vector<16xi32>], vector<16xf32>,
    tpu.vector_store_idx %arg5[%add3A_103], %broadcast_in_dim3A_3 {add = true} : memref<4096xf32, #tpu.memory_space<vmem>>[vector<16xi32>], vector<16xf32>,
    tpu.vector_store_idx %arg5[%add3A_108], %broadcast_in_dim3A_3 masked %ge3A_31 {add = true} : memref<4096xf32, #tpu.memory_space<vmem>>[vector<16xi32>], vector<16xf32>, vector<16xi1>
    %add3A_109 = arith.constant 0 : i32
    %add3A_110 = arith.addi %mul3A_2, %add3A_109 : i32
    %dma_start3A = arith.constant 0 : i32
    %dma_start3A_111 = tpu.memref_slice %arg3[%add3A_110, %dma_start3A] : memref<1024x4096xf32, #tpu.memory_space<hbm>> -> memref<1x4096xf32, #tpu.memory_space<hbm>>
    %dma_start3A_112 = tpu.memref_squeeze %dma_start3A_111 : memref<1x4096xf32, #tpu.memory_space<hbm>> -> memref<4096xf32, #tpu.memory_space<hbm>>
    %dma_start3A_113 = arith.constant 0 : i32
    %dma_start3A_114 = tpu.memref_slice %arg3[%add3A_110, %dma_start3A_113] : memref<1024x4096xf32, #tpu.memory_space<hbm>> -> memref<1x4096xf32, #tpu.memory_space<hbm>>
    %dma_start3A_115 = tpu.memref_squeeze %dma_start3A_114 : memref<1x4096xf32, #tpu.memory_space<hbm>> -> memref<4096xf32, #tpu.memory_space<hbm>>
    tpu.enqueue_dma source(%arg5 : memref<4096xf32, #tpu.memory_space<vmem>>) target(%dma_start3A_115 : memref<4096xf32, #tpu.memory_space<hbm>>) target_semaphore(%arg7 : memref<!tpu.dma_semaphore, #tpu.memory_space<semaphore_mem>>)
    %get3A_116 = arith.constant 1 : i32
    %get3A_117 = arith.index_cast %get3A_116 : i32 to index
    %get3A_118 = arith.constant 0 : index
    %get3A_119 = tpu.vector_load %arg4[%get3A_117, %get3A_118] {strides = array<i32>} : memref<32x200xi32, #tpu.memory_space<vmem>>, vector<16xi32>,
    %add3A_120 = arith.addi %get3A_119, %mul3A_8 : vector<16xi32>
    %get3A_121 = arith.constant 1 : i32
    %get3A_122 = arith.index_cast %get3A_121 : i32 to index
    %get3A_123 = arith.constant 16 : index
    %get3A_124 = tpu.vector_load %arg4[%get3A_122, %get3A_123] {strides = array<i32>} : memref<32x200xi32, #tpu.memory_space<vmem>>, vector<16xi32>,
    %add3A_125 = arith.addi %get3A_124, %mul3A_8 : vector<16xi32>
    %get3A_126 = arith.constant 1 : i32
    %get3A_127 = arith.index_cast %get3A_126 : i32 to index
    %get3A_128 = arith.constant 32 : index
    %get3A_129 = tpu.vector_load %arg4[%get3A_127, %get3A_128] {strides = array<i32>} : memref<32x200xi32, #tpu.memory_space<vmem>>, vector<16xi32>,
    %add3A_130 = arith.addi %get3A_129, %mul3A_8 : vector<16xi32>
    %get3A_131 = arith.constant 1 : i32
    %get3A_132 = arith.index_cast %get3A_131 : i32 to index
    %get3A_133 = arith.constant 48 : index
    %get3A_134 = tpu.vector_load %arg4[%get3A_132, %get3A_133] {strides = array<i32>} : memref<32x200xi32, #tpu.memory_space<vmem>>, vector<16xi32>,
    %add3A_135 = arith.addi %get3A_134, %mul3A_8 : vector<16xi32>
    %get3A_136 = arith.constant 1 : i32
    %get3A_137 = arith.index_cast %get3A_136 : i32 to index
    %get3A_138 = arith.constant 64 : index
    %get3A_139 = tpu.vector_load %arg4[%get3A_137, %get3A_138] {strides = array<i32>} : memref<32x200xi32, #tpu.memory_space<vmem>>, vector<16xi32>,
    %add3A_140 = arith.addi %get3A_139, %mul3A_8 : vector<16xi32>
    %get3A_141 = arith.constant 1 : i32
    %get3A_142 = arith.index_cast %get3A_141 : i32 to index
    %get3A_143 = arith.constant 80 : index
    %get3A_144 = tpu.vector_load %arg4[%get3A_142, %get3A_143] {strides = array<i32>} : memref<32x200xi32, #tpu.memory_space<vmem>>, vector<16xi32>,
    %add3A_145 = arith.addi %get3A_144, %mul3A_8 : vector<16xi32>
    %get3A_146 = arith.constant 1 : i32
    %get3A_147 = arith.index_cast %get3A_146 : i32 to index
    %get3A_148 = arith.constant 96 : index
    %get3A_149 = tpu.vector_load %arg4[%get3A_147, %get3A_148] {strides = array<i32>} : memref<32x200xi32, #tpu.memory_space<vmem>>, vector<16xi32>,
    %add3A_150 = arith.addi %get3A_149, %mul3A_8 : vector<16xi32>
    %get3A_151 = arith.constant 1 : i32
    %get3A_152 = arith.index_cast %get3A_151 : i32 to index
    %get3A_153 = arith.constant 112 : index
    %get3A_154 = tpu.vector_load %arg4[%get3A_152, %get3A_153] {strides = array<i32>} : memref<32x200xi32, #tpu.memory_space<vmem>>, vector<16xi32>,
    %add3A_155 = arith.addi %get3A_154, %mul3A_8 : vector<16xi32>
    %get3A_156 = arith.constant 1 : i32
    %get3A_157 = arith.index_cast %get3A_156 : i32 to index
    %get3A_158 = arith.constant 128 : index
    %get3A_159 = tpu.vector_load %arg4[%get3A_157, %get3A_158] {strides = array<i32>} : memref<32x200xi32, #tpu.memory_space<vmem>>, vector<16xi32>,
    %add3A_160 = arith.addi %get3A_159, %mul3A_8 : vector<16xi32>
    %get3A_161 = arith.constant 1 : i32
    %get3A_162 = arith.index_cast %get3A_161 : i32 to index
    %get3A_163 = arith.constant 144 : index
    %get3A_164 = tpu.vector_load %arg4[%get3A_162, %get3A_163] {strides = array<i32>} : memref<32x200xi32, #tpu.memory_space<vmem>>, vector<16xi32>,
    %add3A_165 = arith.addi %get3A_164, %mul3A_8 : vector<16xi32>
    %get3A_166 = arith.constant 1 : i32
    %get3A_167 = arith.index_cast %get3A_166 : i32 to index
    %get3A_168 = arith.constant 160 : index
    %get3A_169 = tpu.vector_load %arg4[%get3A_167, %get3A_168] {strides = array<i32>} : memref<32x200xi32, #tpu.memory_space<vmem>>, vector<16xi32>,
    %add3A_170 = arith.addi %get3A_169, %mul3A_8 : vector<16xi32>
    %get3A_171 = arith.constant 1 : i32
    %get3A_172 = arith.index_cast %get3A_171 : i32 to index
    %get3A_173 = arith.constant 176 : index
    %get3A_174 = tpu.vector_load %arg4[%get3A_172, %get3A_173] {strides = array<i32>} : memref<32x200xi32, #tpu.memory_space<vmem>>, vector<16xi32>,
    %add3A_175 = arith.addi %get3A_174, %mul3A_8 : vector<16xi32>
    %get3A_176 = arith.constant 1 : i32
    %get3A_177 = arith.index_cast %get3A_176 : i32 to index
    %get3A_178 = arith.constant 184 : index
    %get3A_179 = tpu.vector_load %arg4[%get3A_177, %get3A_178] {strides = array<i32>} : memref<32x200xi32, #tpu.memory_space<vmem>>, vector<16xi32>,
    %add3A_180 = arith.addi %get3A_179, %mul3A_29 : vector<16xi32>
    tpu.vector_store_idx %arg6[%add3A_120], %broadcast_in_dim3A_3 {add = true} : memref<4096xf32, #tpu.memory_space<vmem>>[vector<16xi32>], vector<16xf32>,
    tpu.vector_store_idx %arg6[%add3A_125], %broadcast_in_dim3A_3 {add = true} : memref<4096xf32, #tpu.memory_space<vmem>>[vector<16xi32>], vector<16xf32>,
    tpu.vector_store_idx %arg6[%add3A_130], %broadcast_in_dim3A_3 {add = true} : memref<4096xf32, #tpu.memory_space<vmem>>[vector<16xi32>], vector<16xf32>,
    tpu.vector_store_idx %arg6[%add3A_135], %broadcast_in_dim3A_3 {add = true} : memref<4096xf32, #tpu.memory_space<vmem>>[vector<16xi32>], vector<16xf32>,
    tpu.vector_store_idx %arg6[%add3A_140], %broadcast_in_dim3A_3 {add = true} : memref<4096xf32, #tpu.memory_space<vmem>>[vector<16xi32>], vector<16xf32>,
    tpu.vector_store_idx %arg6[%add3A_145], %broadcast_in_dim3A_3 {add = true} : memref<4096xf32, #tpu.memory_space<vmem>>[vector<16xi32>], vector<16xf32>,
    tpu.vector_store_idx %arg6[%add3A_150], %broadcast_in_dim3A_3 {add = true} : memref<4096xf32, #tpu.memory_space<vmem>>[vector<16xi32>], vector<16xf32>,
    tpu.vector_store_idx %arg6[%add3A_155], %broadcast_in_dim3A_3 {add = true} : memref<4096xf32, #tpu.memory_space<vmem>>[vector<16xi32>], vector<16xf32>,
    tpu.vector_store_idx %arg6[%add3A_160], %broadcast_in_dim3A_3 {add = true} : memref<4096xf32, #tpu.memory_space<vmem>>[vector<16xi32>], vector<16xf32>,
    tpu.vector_store_idx %arg6[%add3A_165], %broadcast_in_dim3A_3 {add = true} : memref<4096xf32, #tpu.memory_space<vmem>>[vector<16xi32>], vector<16xf32>,
    tpu.vector_store_idx %arg6[%add3A_170], %broadcast_in_dim3A_3 {add = true} : memref<4096xf32, #tpu.memory_space<vmem>>[vector<16xi32>], vector<16xf32>,
    tpu.vector_store_idx %arg6[%add3A_175], %broadcast_in_dim3A_3 {add = true} : memref<4096xf32, #tpu.memory_space<vmem>>[vector<16xi32>], vector<16xf32>,
    tpu.vector_store_idx %arg6[%add3A_180], %broadcast_in_dim3A_3 masked %ge3A_31 {add = true} : memref<4096xf32, #tpu.memory_space<vmem>>[vector<16xi32>], vector<16xf32>, vector<16xi1>
    %add3A_181 = arith.constant 1 : i32
    %add3A_182 = arith.addi %mul3A_2, %add3A_181 : i32
    %dma_start3A_183 = arith.constant 0 : i32
    %dma_start3A_184 = tpu.memref_slice %arg3[%add3A_182, %dma_start3A_183] : memref<1024x4096xf32, #tpu.memory_space<hbm>> -> memref<1x4096xf32, #tpu.memory_space<hbm>>
    %dma_start3A_185 = tpu.memref_squeeze %dma_start3A_184 : memref<1x4096xf32, #tpu.memory_space<hbm>> -> memref<4096xf32, #tpu.memory_space<hbm>>
    %dma_start3A_186 = arith.constant 0 : i32
    %dma_start3A_187 = tpu.memref_slice %arg3[%add3A_182, %dma_start3A_186] : memref<1024x4096xf32, #tpu.memory_space<hbm>> -> memref<1x4096xf32, #tpu.memory_space<hbm>>
    %dma_start3A_188 = tpu.memref_squeeze %dma_start3A_187 : memref<1x4096xf32, #tpu.memory_space<hbm>> -> memref<4096xf32, #tpu.memory_space<hbm>>
    tpu.enqueue_dma source(%arg6 : memref<4096xf32, #tpu.memory_space<vmem>>) target(%dma_start3A_188 : memref<4096xf32, #tpu.memory_space<hbm>>) target_semaphore(%arg8 : memref<!tpu.dma_semaphore, #tpu.memory_space<semaphore_mem>>)
    %scan3A_189 = arith.constant 0 : i32
    %scan3A_190 = arith.constant 1 : i32
    %scan3A_191 = arith.constant 15 : i32
    %scan3A_192 = arith.addi %scan3A_190, %scan3A_191 : i32
    %scan3A_193 = arith.constant 1 : i32
    %scan3A_194 = scf.for %scan3A_218 = %scan3A_190 to %scan3A_192 step %scan3A_193 iter_args(%scan3A_219 = %scan3A_189) -> (i32)  : i32 {
      %mul3A_220 = arith.constant 2 : i32
      %mul3A_221 = arith.muli %mul3A_220, %scan3A_218 : i32
      %add3A_222 = arith.addi %mul3A_2, %mul3A_221 : i32
      %add3A_223 = arith.constant 0 : i32
      %add3A_224 = arith.addi %add3A_222, %add3A_223 : i32
      %sub3A_225 = arith.constant 2 : i32
      %sub3A_226 = arith.subi %add3A_224, %sub3A_225 : i32
      %dma_wait3A_227 = arith.constant 0 : i32
      %dma_wait3A_228 = tpu.memref_slice %arg3[%sub3A_226, %dma_wait3A_227] : memref<1024x4096xf32, #tpu.memory_space<hbm>> -> memref<1x4096xf32, #tpu.memory_space<hbm>>
      %dma_wait3A_229 = tpu.memref_squeeze %dma_wait3A_228 : memref<1x4096xf32, #tpu.memory_space<hbm>> -> memref<4096xf32, #tpu.memory_space<hbm>>
      %dma_wait3A_230 = arith.constant 0 : i32
      %dma_wait3A_231 = tpu.memref_slice %arg3[%sub3A_226, %dma_wait3A_230] : memref<1024x4096xf32, #tpu.memory_space<hbm>> -> memref<1x4096xf32, #tpu.memory_space<hbm>>
      %dma_wait3A_232 = tpu.memref_squeeze %dma_wait3A_231 : memref<1x4096xf32, #tpu.memory_space<hbm>> -> memref<4096xf32, #tpu.memory_space<hbm>>
      tpu.wait_dma2 semaphore(%arg7 : memref<!tpu.dma_semaphore, #tpu.memory_space<semaphore_mem>>) src(%arg5 : memref<4096xf32, #tpu.memory_space<vmem>>) dst(%dma_wait3A_232 : memref<4096xf32, #tpu.memory_space<hbm>>)
      %add3A_233 = arith.constant 0 : i32
      %add3A_234 = arith.addi %mul3A_221, %add3A_233 : i32
      %sub3A_235 = arith.constant 2 : i32
      %sub3A_236 = arith.subi %add3A_234, %sub3A_235 : i32
      %get3A_237 = arith.index_cast %sub3A_236 : i32 to index
      %get3A_238 = arith.constant 0 : index
      %get3A_239 = tpu.vector_load %arg4[%get3A_237, %get3A_238] {strides = array<i32>} : memref<32x200xi32, #tpu.memory_space<vmem>>, vector<16xi32>,
      %add3A_240 = arith.addi %get3A_239, %mul3A_8 : vector<16xi32>
      %get3A_241 = arith.index_cast %sub3A_236 : i32 to index
      %get3A_242 = arith.constant 16 : index
      %get3A_243 = tpu.vector_load %arg4[%get3A_241, %get3A_242] {strides = array<i32>} : memref<32x200xi32, #tpu.memory_space<vmem>>, vector<16xi32>,
      %add3A_244 = arith.addi %get3A_243, %mul3A_8 : vector<16xi32>
      %get3A_245 = arith.index_cast %sub3A_236 : i32 to index
      %get3A_246 = arith.constant 32 : index
      %get3A_247 = tpu.vector_load %arg4[%get3A_245, %get3A_246] {strides = array<i32>} : memref<32x200xi32, #tpu.memory_space<vmem>>, vector<16xi32>,
      %add3A_248 = arith.addi %get3A_247, %mul3A_8 : vector<16xi32>
      %get3A_249 = arith.index_cast %sub3A_236 : i32 to index
      %get3A_250 = arith.constant 48 : index
      %get3A_251 = tpu.vector_load %arg4[%get3A_249, %get3A_250] {strides = array<i32>} : memref<32x200xi32, #tpu.memory_space<vmem>>, vector<16xi32>,
      %add3A_252 = arith.addi %get3A_251, %mul3A_8 : vector<16xi32>
      %get3A_253 = arith.index_cast %sub3A_236 : i32 to index
      %get3A_254 = arith.constant 64 : index
      %get3A_255 = tpu.vector_load %arg4[%get3A_253, %get3A_254] {strides = array<i32>} : memref<32x200xi32, #tpu.memory_space<vmem>>, vector<16xi32>,
      %add3A_256 = arith.addi %get3A_255, %mul3A_8 : vector<16xi32>
      %get3A_257 = arith.index_cast %sub3A_236 : i32 to index
      %get3A_258 = arith.constant 80 : index
      %get3A_259 = tpu.vector_load %arg4[%get3A_257, %get3A_258] {strides = array<i32>} : memref<32x200xi32, #tpu.memory_space<vmem>>, vector<16xi32>,
      %add3A_260 = arith.addi %get3A_259, %mul3A_8 : vector<16xi32>
      %get3A_261 = arith.index_cast %sub3A_236 : i32 to index
      %get3A_262 = arith.constant 96 : index
      %get3A_263 = tpu.vector_load %arg4[%get3A_261, %get3A_262] {strides = array<i32>} : memref<32x200xi32, #tpu.memory_space<vmem>>, vector<16xi32>,
      %add3A_264 = arith.addi %get3A_263, %mul3A_8 : vector<16xi32>
      %get3A_265 = arith.index_cast %sub3A_236 : i32 to index
      %get3A_266 = arith.constant 112 : index
      %get3A_267 = tpu.vector_load %arg4[%get3A_265, %get3A_266] {strides = array<i32>} : memref<32x200xi32, #tpu.memory_space<vmem>>, vector<16xi32>,
      %add3A_268 = arith.addi %get3A_267, %mul3A_8 : vector<16xi32>
      %get3A_269 = arith.index_cast %sub3A_236 : i32 to index
      %get3A_270 = arith.constant 128 : index
      %get3A_271 = tpu.vector_load %arg4[%get3A_269, %get3A_270] {strides = array<i32>} : memref<32x200xi32, #tpu.memory_space<vmem>>, vector<16xi32>,
      %add3A_272 = arith.addi %get3A_271, %mul3A_8 : vector<16xi32>
      %get3A_273 = arith.index_cast %sub3A_236 : i32 to index
      %get3A_274 = arith.constant 144 : index
      %get3A_275 = tpu.vector_load %arg4[%get3A_273, %get3A_274] {strides = array<i32>} : memref<32x200xi32, #tpu.memory_space<vmem>>, vector<16xi32>,
      %add3A_276 = arith.addi %get3A_275, %mul3A_8 : vector<16xi32>
      %get3A_277 = arith.index_cast %sub3A_236 : i32 to index
      %get3A_278 = arith.constant 160 : index
      %get3A_279 = tpu.vector_load %arg4[%get3A_277, %get3A_278] {strides = array<i32>} : memref<32x200xi32, #tpu.memory_space<vmem>>, vector<16xi32>,
      %add3A_280 = arith.addi %get3A_279, %mul3A_8 : vector<16xi32>
      %get3A_281 = arith.index_cast %sub3A_236 : i32 to index
      %get3A_282 = arith.constant 176 : index
      %get3A_283 = tpu.vector_load %arg4[%get3A_281, %get3A_282] {strides = array<i32>} : memref<32x200xi32, #tpu.memory_space<vmem>>, vector<16xi32>,
      %add3A_284 = arith.addi %get3A_283, %mul3A_8 : vector<16xi32>
      %get3A_285 = arith.index_cast %sub3A_236 : i32 to index
      %get3A_286 = arith.constant 184 : index
      %get3A_287 = tpu.vector_load %arg4[%get3A_285, %get3A_286] {strides = array<i32>} : memref<32x200xi32, #tpu.memory_space<vmem>>, vector<16xi32>,
      %add3A_288 = arith.addi %get3A_287, %mul3A_29 : vector<16xi32>
      tpu.vector_store_idx %arg5[%add3A_240], %broadcast_in_dim3A_5 : memref<4096xf32, #tpu.memory_space<vmem>>[vector<16xi32>], vector<16xf32>,
      tpu.vector_store_idx %arg5[%add3A_244], %broadcast_in_dim3A_5 : memref<4096xf32, #tpu.memory_space<vmem>>[vector<16xi32>], vector<16xf32>,
      tpu.vector_store_idx %arg5[%add3A_248], %broadcast_in_dim3A_5 : memref<4096xf32, #tpu.memory_space<vmem>>[vector<16xi32>], vector<16xf32>,
      tpu.vector_store_idx %arg5[%add3A_252], %broadcast_in_dim3A_5 : memref<4096xf32, #tpu.memory_space<vmem>>[vector<16xi32>], vector<16xf32>,
      tpu.vector_store_idx %arg5[%add3A_256], %broadcast_in_dim3A_5 : memref<4096xf32, #tpu.memory_space<vmem>>[vector<16xi32>], vector<16xf32>,
      tpu.vector_store_idx %arg5[%add3A_260], %broadcast_in_dim3A_5 : memref<4096xf32, #tpu.memory_space<vmem>>[vector<16xi32>], vector<16xf32>,
      tpu.vector_store_idx %arg5[%add3A_264], %broadcast_in_dim3A_5 : memref<4096xf32, #tpu.memory_space<vmem>>[vector<16xi32>], vector<16xf32>,
      tpu.vector_store_idx %arg5[%add3A_268], %broadcast_in_dim3A_5 : memref<4096xf32, #tpu.memory_space<vmem>>[vector<16xi32>], vector<16xf32>,
      tpu.vector_store_idx %arg5[%add3A_272], %broadcast_in_dim3A_5 : memref<4096xf32, #tpu.memory_space<vmem>>[vector<16xi32>], vector<16xf32>,
      tpu.vector_store_idx %arg5[%add3A_276], %broadcast_in_dim3A_5 : memref<4096xf32, #tpu.memory_space<vmem>>[vector<16xi32>], vector<16xf32>,
      tpu.vector_store_idx %arg5[%add3A_280], %broadcast_in_dim3A_5 : memref<4096xf32, #tpu.memory_space<vmem>>[vector<16xi32>], vector<16xf32>,
      tpu.vector_store_idx %arg5[%add3A_284], %broadcast_in_dim3A_5 : memref<4096xf32, #tpu.memory_space<vmem>>[vector<16xi32>], vector<16xf32>,
      tpu.vector_store_idx %arg5[%add3A_288], %broadcast_in_dim3A_5 masked %ge3A_31 : memref<4096xf32, #tpu.memory_space<vmem>>[vector<16xi32>], vector<16xf32>, vector<16xi1>
      %add3A_289 = arith.constant 0 : i32
      %add3A_290 = arith.addi %mul3A_221, %add3A_289 : i32
      %get3A_291 = arith.index_cast %add3A_290 : i32 to index
      %get3A_292 = arith.constant 0 : index
      %get3A_293 = tpu.vector_load %arg4[%get3A_291, %get3A_292] {strides = array<i32>} : memref<32x200xi32, #tpu.memory_space<vmem>>, vector<16xi32>,
      %add3A_294 = arith.addi %get3A_293, %mul3A_8 : vector<16xi32>
      %get3A_295 = arith.index_cast %add3A_290 : i32 to index
      %get3A_296 = arith.constant 16 : index
      %get3A_297 = tpu.vector_load %arg4[%get3A_295, %get3A_296] {strides = array<i32>} : memref<32x200xi32, #tpu.memory_space<vmem>>, vector<16xi32>,
      %add3A_298 = arith.addi %get3A_297, %mul3A_8 : vector<16xi32>
      %get3A_299 = arith.index_cast %add3A_290 : i32 to index
      %get3A_300 = arith.constant 32 : index
      %get3A_301 = tpu.vector_load %arg4[%get3A_299, %get3A_300] {strides = array<i32>} : memref<32x200xi32, #tpu.memory_space<vmem>>, vector<16xi32>,
      %add3A_302 = arith.addi %get3A_301, %mul3A_8 : vector<16xi32>
      %get3A_303 = arith.index_cast %add3A_290 : i32 to index
      %get3A_304 = arith.constant 48 : index
      %get3A_305 = tpu.vector_load %arg4[%get3A_303, %get3A_304] {strides = array<i32>} : memref<32x200xi32, #tpu.memory_space<vmem>>, vector<16xi32>,
      %add3A_306 = arith.addi %get3A_305, %mul3A_8 : vector<16xi32>
      %get3A_307 = arith.index_cast %add3A_290 : i32 to index
      %get3A_308 = arith.constant 64 : index
      %get3A_309 = tpu.vector_load %arg4[%get3A_307, %get3A_308] {strides = array<i32>} : memref<32x200xi32, #tpu.memory_space<vmem>>, vector<16xi32>,
      %add3A_310 = arith.addi %get3A_309, %mul3A_8 : vector<16xi32>
      %get3A_311 = arith.index_cast %add3A_290 : i32 to index
      %get3A_312 = arith.constant 80 : index
      %get3A_313 = tpu.vector_load %arg4[%get3A_311, %get3A_312] {strides = array<i32>} : memref<32x200xi32, #tpu.memory_space<vmem>>, vector<16xi32>,
      %add3A_314 = arith.addi %get3A_313, %mul3A_8 : vector<16xi32>
      %get3A_315 = arith.index_cast %add3A_290 : i32 to index
      %get3A_316 = arith.constant 96 : index
      %get3A_317 = tpu.vector_load %arg4[%get3A_315, %get3A_316] {strides = array<i32>} : memref<32x200xi32, #tpu.memory_space<vmem>>, vector<16xi32>,
      %add3A_318 = arith.addi %get3A_317, %mul3A_8 : vector<16xi32>
      %get3A_319 = arith.index_cast %add3A_290 : i32 to index
      %get3A_320 = arith.constant 112 : index
      %get3A_321 = tpu.vector_load %arg4[%get3A_319, %get3A_320] {strides = array<i32>} : memref<32x200xi32, #tpu.memory_space<vmem>>, vector<16xi32>,
      %add3A_322 = arith.addi %get3A_321, %mul3A_8 : vector<16xi32>
      %get3A_323 = arith.index_cast %add3A_290 : i32 to index
      %get3A_324 = arith.constant 128 : index
      %get3A_325 = tpu.vector_load %arg4[%get3A_323, %get3A_324] {strides = array<i32>} : memref<32x200xi32, #tpu.memory_space<vmem>>, vector<16xi32>,
      %add3A_326 = arith.addi %get3A_325, %mul3A_8 : vector<16xi32>
      %get3A_327 = arith.index_cast %add3A_290 : i32 to index
      %get3A_328 = arith.constant 144 : index
      %get3A_329 = tpu.vector_load %arg4[%get3A_327, %get3A_328] {strides = array<i32>} : memref<32x200xi32, #tpu.memory_space<vmem>>, vector<16xi32>,
      %add3A_330 = arith.addi %get3A_329, %mul3A_8 : vector<16xi32>
      %get3A_331 = arith.index_cast %add3A_290 : i32 to index
      %get3A_332 = arith.constant 160 : index
      %get3A_333 = tpu.vector_load %arg4[%get3A_331, %get3A_332] {strides = array<i32>} : memref<32x200xi32, #tpu.memory_space<vmem>>, vector<16xi32>,
      %add3A_334 = arith.addi %get3A_333, %mul3A_8 : vector<16xi32>
      %get3A_335 = arith.index_cast %add3A_290 : i32 to index
      %get3A_336 = arith.constant 176 : index
      %get3A_337 = tpu.vector_load %arg4[%get3A_335, %get3A_336] {strides = array<i32>} : memref<32x200xi32, #tpu.memory_space<vmem>>, vector<16xi32>,
      %add3A_338 = arith.addi %get3A_337, %mul3A_8 : vector<16xi32>
      %get3A_339 = arith.index_cast %add3A_290 : i32 to index
      %get3A_340 = arith.constant 184 : index
      %get3A_341 = tpu.vector_load %arg4[%get3A_339, %get3A_340] {strides = array<i32>} : memref<32x200xi32, #tpu.memory_space<vmem>>, vector<16xi32>,
      %add3A_342 = arith.addi %get3A_341, %mul3A_29 : vector<16xi32>
      tpu.vector_store_idx %arg5[%add3A_294], %broadcast_in_dim3A_3 {add = true} : memref<4096xf32, #tpu.memory_space<vmem>>[vector<16xi32>], vector<16xf32>,
      tpu.vector_store_idx %arg5[%add3A_298], %broadcast_in_dim3A_3 {add = true} : memref<4096xf32, #tpu.memory_space<vmem>>[vector<16xi32>], vector<16xf32>,
      tpu.vector_store_idx %arg5[%add3A_302], %broadcast_in_dim3A_3 {add = true} : memref<4096xf32, #tpu.memory_space<vmem>>[vector<16xi32>], vector<16xf32>,
      tpu.vector_store_idx %arg5[%add3A_306], %broadcast_in_dim3A_3 {add = true} : memref<4096xf32, #tpu.memory_space<vmem>>[vector<16xi32>], vector<16xf32>,
      tpu.vector_store_idx %arg5[%add3A_310], %broadcast_in_dim3A_3 {add = true} : memref<4096xf32, #tpu.memory_space<vmem>>[vector<16xi32>], vector<16xf32>,
      tpu.vector_store_idx %arg5[%add3A_314], %broadcast_in_dim3A_3 {add = true} : memref<4096xf32, #tpu.memory_space<vmem>>[vector<16xi32>], vector<16xf32>,
      tpu.vector_store_idx %arg5[%add3A_318], %broadcast_in_dim3A_3 {add = true} : memref<4096xf32, #tpu.memory_space<vmem>>[vector<16xi32>], vector<16xf32>,
      tpu.vector_store_idx %arg5[%add3A_322], %broadcast_in_dim3A_3 {add = true} : memref<4096xf32, #tpu.memory_space<vmem>>[vector<16xi32>], vector<16xf32>,
      tpu.vector_store_idx %arg5[%add3A_326], %broadcast_in_dim3A_3 {add = true} : memref<4096xf32, #tpu.memory_space<vmem>>[vector<16xi32>], vector<16xf32>,
      tpu.vector_store_idx %arg5[%add3A_330], %broadcast_in_dim3A_3 {add = true} : memref<4096xf32, #tpu.memory_space<vmem>>[vector<16xi32>], vector<16xf32>,
      tpu.vector_store_idx %arg5[%add3A_334], %broadcast_in_dim3A_3 {add = true} : memref<4096xf32, #tpu.memory_space<vmem>>[vector<16xi32>], vector<16xf32>,
      tpu.vector_store_idx %arg5[%add3A_338], %broadcast_in_dim3A_3 {add = true} : memref<4096xf32, #tpu.memory_space<vmem>>[vector<16xi32>], vector<16xf32>,
      tpu.vector_store_idx %arg5[%add3A_342], %broadcast_in_dim3A_3 masked %ge3A_31 {add = true} : memref<4096xf32, #tpu.memory_space<vmem>>[vector<16xi32>], vector<16xf32>, vector<16xi1>
      %add3A_343 = arith.addi %mul3A_2, %mul3A_221 : i32
      %add3A_344 = arith.constant 0 : i32
      %add3A_345 = arith.addi %add3A_343, %add3A_344 : i32
      %dma_start3A_346 = arith.constant 0 : i32
      %dma_start3A_347 = tpu.memref_slice %arg3[%add3A_345, %dma_start3A_346] : memref<1024x4096xf32, #tpu.memory_space<hbm>> -> memref<1x4096xf32, #tpu.memory_space<hbm>>
      %dma_start3A_348 = tpu.memref_squeeze %dma_start3A_347 : memref<1x4096xf32, #tpu.memory_space<hbm>> -> memref<4096xf32, #tpu.memory_space<hbm>>
      %dma_start3A_349 = arith.constant 0 : i32
      %dma_start3A_350 = tpu.memref_slice %arg3[%add3A_345, %dma_start3A_349] : memref<1024x4096xf32, #tpu.memory_space<hbm>> -> memref<1x4096xf32, #tpu.memory_space<hbm>>
      %dma_start3A_351 = tpu.memref_squeeze %dma_start3A_350 : memref<1x4096xf32, #tpu.memory_space<hbm>> -> memref<4096xf32, #tpu.memory_space<hbm>>
      tpu.enqueue_dma source(%arg5 : memref<4096xf32, #tpu.memory_space<vmem>>) target(%dma_start3A_351 : memref<4096xf32, #tpu.memory_space<hbm>>) target_semaphore(%arg7 : memref<!tpu.dma_semaphore, #tpu.memory_space<semaphore_mem>>)
      %add3A_352 = arith.addi %mul3A_2, %mul3A_221 : i32
      %add3A_353 = arith.constant 1 : i32
      %add3A_354 = arith.addi %add3A_352, %add3A_353 : i32
      %sub3A_355 = arith.constant 2 : i32
      %sub3A_356 = arith.subi %add3A_354, %sub3A_355 : i32
      %dma_wait3A_357 = arith.constant 0 : i32
      %dma_wait3A_358 = tpu.memref_slice %arg3[%sub3A_356, %dma_wait3A_357] : memref<1024x4096xf32, #tpu.memory_space<hbm>> -> memref<1x4096xf32, #tpu.memory_space<hbm>>
      %dma_wait3A_359 = tpu.memref_squeeze %dma_wait3A_358 : memref<1x4096xf32, #tpu.memory_space<hbm>> -> memref<4096xf32, #tpu.memory_space<hbm>>
      %dma_wait3A_360 = arith.constant 0 : i32
      %dma_wait3A_361 = tpu.memref_slice %arg3[%sub3A_356, %dma_wait3A_360] : memref<1024x4096xf32, #tpu.memory_space<hbm>> -> memref<1x4096xf32, #tpu.memory_space<hbm>>
      %dma_wait3A_362 = tpu.memref_squeeze %dma_wait3A_361 : memref<1x4096xf32, #tpu.memory_space<hbm>> -> memref<4096xf32, #tpu.memory_space<hbm>>
      tpu.wait_dma2 semaphore(%arg8 : memref<!tpu.dma_semaphore, #tpu.memory_space<semaphore_mem>>) src(%arg6 : memref<4096xf32, #tpu.memory_space<vmem>>) dst(%dma_wait3A_362 : memref<4096xf32, #tpu.memory_space<hbm>>)
      %add3A_363 = arith.constant 1 : i32
      %add3A_364 = arith.addi %mul3A_221, %add3A_363 : i32
      %sub3A_365 = arith.constant 2 : i32
      %sub3A_366 = arith.subi %add3A_364, %sub3A_365 : i32
      %get3A_367 = arith.index_cast %sub3A_366 : i32 to index
      %get3A_368 = arith.constant 0 : index
      %get3A_369 = tpu.vector_load %arg4[%get3A_367, %get3A_368] {strides = array<i32>} : memref<32x200xi32, #tpu.memory_space<vmem>>, vector<16xi32>,
      %add3A_370 = arith.addi %get3A_369, %mul3A_8 : vector<16xi32>
      %get3A_371 = arith.index_cast %sub3A_366 : i32 to index
      %get3A_372 = arith.constant 16 : index
      %get3A_373 = tpu.vector_load %arg4[%get3A_371, %get3A_372] {strides = array<i32>} : memref<32x200xi32, #tpu.memory_space<vmem>>, vector<16xi32>,
      %add3A_374 = arith.addi %get3A_373, %mul3A_8 : vector<16xi32>
      %get3A_375 = arith.index_cast %sub3A_366 : i32 to index
      %get3A_376 = arith.constant 32 : index
      %get3A_377 = tpu.vector_load %arg4[%get3A_375, %get3A_376] {strides = array<i32>} : memref<32x200xi32, #tpu.memory_space<vmem>>, vector<16xi32>,
      %add3A_378 = arith.addi %get3A_377, %mul3A_8 : vector<16xi32>
      %get3A_379 = arith.index_cast %sub3A_366 : i32 to index
      %get3A_380 = arith.constant 48 : index
      %get3A_381 = tpu.vector_load %arg4[%get3A_379, %get3A_380] {strides = array<i32>} : memref<32x200xi32, #tpu.memory_space<vmem>>, vector<16xi32>,
      %add3A_382 = arith.addi %get3A_381, %mul3A_8 : vector<16xi32>
      %get3A_383 = arith.index_cast %sub3A_366 : i32 to index
      %get3A_384 = arith.constant 64 : index
      %get3A_385 = tpu.vector_load %arg4[%get3A_383, %get3A_384] {strides = array<i32>} : memref<32x200xi32, #tpu.memory_space<vmem>>, vector<16xi32>,
      %add3A_386 = arith.addi %get3A_385, %mul3A_8 : vector<16xi32>
      %get3A_387 = arith.index_cast %sub3A_366 : i32 to index
      %get3A_388 = arith.constant 80 : index
      %get3A_389 = tpu.vector_load %arg4[%get3A_387, %get3A_388] {strides = array<i32>} : memref<32x200xi32, #tpu.memory_space<vmem>>, vector<16xi32>,
      %add3A_390 = arith.addi %get3A_389, %mul3A_8 : vector<16xi32>
      %get3A_391 = arith.index_cast %sub3A_366 : i32 to index
      %get3A_392 = arith.constant 96 : index
      %get3A_393 = tpu.vector_load %arg4[%get3A_391, %get3A_392] {strides = array<i32>} : memref<32x200xi32, #tpu.memory_space<vmem>>, vector<16xi32>,
      %add3A_394 = arith.addi %get3A_393, %mul3A_8 : vector<16xi32>
      %get3A_395 = arith.index_cast %sub3A_366 : i32 to index
      %get3A_396 = arith.constant 112 : index
      %get3A_397 = tpu.vector_load %arg4[%get3A_395, %get3A_396] {strides = array<i32>} : memref<32x200xi32, #tpu.memory_space<vmem>>, vector<16xi32>,
      %add3A_398 = arith.addi %get3A_397, %mul3A_8 : vector<16xi32>
      %get3A_399 = arith.index_cast %sub3A_366 : i32 to index
      %get3A_400 = arith.constant 128 : index
      %get3A_401 = tpu.vector_load %arg4[%get3A_399, %get3A_400] {strides = array<i32>} : memref<32x200xi32, #tpu.memory_space<vmem>>, vector<16xi32>,
      %add3A_402 = arith.addi %get3A_401, %mul3A_8 : vector<16xi32>
      %get3A_403 = arith.index_cast %sub3A_366 : i32 to index
      %get3A_404 = arith.constant 144 : index
      %get3A_405 = tpu.vector_load %arg4[%get3A_403, %get3A_404] {strides = array<i32>} : memref<32x200xi32, #tpu.memory_space<vmem>>, vector<16xi32>,
      %add3A_406 = arith.addi %get3A_405, %mul3A_8 : vector<16xi32>
      %get3A_407 = arith.index_cast %sub3A_366 : i32 to index
      %get3A_408 = arith.constant 160 : index
      %get3A_409 = tpu.vector_load %arg4[%get3A_407, %get3A_408] {strides = array<i32>} : memref<32x200xi32, #tpu.memory_space<vmem>>, vector<16xi32>,
      %add3A_410 = arith.addi %get3A_409, %mul3A_8 : vector<16xi32>
      %get3A_411 = arith.index_cast %sub3A_366 : i32 to index
      %get3A_412 = arith.constant 176 : index
      %get3A_413 = tpu.vector_load %arg4[%get3A_411, %get3A_412] {strides = array<i32>} : memref<32x200xi32, #tpu.memory_space<vmem>>, vector<16xi32>,
      %add3A_414 = arith.addi %get3A_413, %mul3A_8 : vector<16xi32>
      %get3A_415 = arith.index_cast %sub3A_366 : i32 to index
      %get3A_416 = arith.constant 184 : index
      %get3A_417 = tpu.vector_load %arg4[%get3A_415, %get3A_416] {strides = array<i32>} : memref<32x200xi32, #tpu.memory_space<vmem>>, vector<16xi32>,
      %add3A_418 = arith.addi %get3A_417, %mul3A_29 : vector<16xi32>
      tpu.vector_store_idx %arg6[%add3A_370], %broadcast_in_dim3A_5 : memref<4096xf32, #tpu.memory_space<vmem>>[vector<16xi32>], vector<16xf32>,
      tpu.vector_store_idx %arg6[%add3A_374], %broadcast_in_dim3A_5 : memref<4096xf32, #tpu.memory_space<vmem>>[vector<16xi32>], vector<16xf32>,
      tpu.vector_store_idx %arg6[%add3A_378], %broadcast_in_dim3A_5 : memref<4096xf32, #tpu.memory_space<vmem>>[vector<16xi32>], vector<16xf32>,
      tpu.vector_store_idx %arg6[%add3A_382], %broadcast_in_dim3A_5 : memref<4096xf32, #tpu.memory_space<vmem>>[vector<16xi32>], vector<16xf32>,
      tpu.vector_store_idx %arg6[%add3A_386], %broadcast_in_dim3A_5 : memref<4096xf32, #tpu.memory_space<vmem>>[vector<16xi32>], vector<16xf32>,
      tpu.vector_store_idx %arg6[%add3A_390], %broadcast_in_dim3A_5 : memref<4096xf32, #tpu.memory_space<vmem>>[vector<16xi32>], vector<16xf32>,
      tpu.vector_store_idx %arg6[%add3A_394], %broadcast_in_dim3A_5 : memref<4096xf32, #tpu.memory_space<vmem>>[vector<16xi32>], vector<16xf32>,
      tpu.vector_store_idx %arg6[%add3A_398], %broadcast_in_dim3A_5 : memref<4096xf32, #tpu.memory_space<vmem>>[vector<16xi32>], vector<16xf32>,
      tpu.vector_store_idx %arg6[%add3A_402], %broadcast_in_dim3A_5 : memref<4096xf32, #tpu.memory_space<vmem>>[vector<16xi32>], vector<16xf32>,
      tpu.vector_store_idx %arg6[%add3A_406], %broadcast_in_dim3A_5 : memref<4096xf32, #tpu.memory_space<vmem>>[vector<16xi32>], vector<16xf32>,
      tpu.vector_store_idx %arg6[%add3A_410], %broadcast_in_dim3A_5 : memref<4096xf32, #tpu.memory_space<vmem>>[vector<16xi32>], vector<16xf32>,
      tpu.vector_store_idx %arg6[%add3A_414], %broadcast_in_dim3A_5 : memref<4096xf32, #tpu.memory_space<vmem>>[vector<16xi32>], vector<16xf32>,
      tpu.vector_store_idx %arg6[%add3A_418], %broadcast_in_dim3A_5 masked %ge3A_31 : memref<4096xf32, #tpu.memory_space<vmem>>[vector<16xi32>], vector<16xf32>, vector<16xi1>
      %add3A_419 = arith.constant 1 : i32
      %add3A_420 = arith.addi %mul3A_221, %add3A_419 : i32
      %get3A_421 = arith.index_cast %add3A_420 : i32 to index
      %get3A_422 = arith.constant 0 : index
      %get3A_423 = tpu.vector_load %arg4[%get3A_421, %get3A_422] {strides = array<i32>} : memref<32x200xi32, #tpu.memory_space<vmem>>, vector<16xi32>,
      %add3A_424 = arith.addi %get3A_423, %mul3A_8 : vector<16xi32>
      %get3A_425 = arith.index_cast %add3A_420 : i32 to index
      %get3A_426 = arith.constant 16 : index
      %get3A_427 = tpu.vector_load %arg4[%get3A_425, %get3A_426] {strides = array<i32>} : memref<32x200xi32, #tpu.memory_space<vmem>>, vector<16xi32>,
      %add3A_428 = arith.addi %get3A_427, %mul3A_8 : vector<16xi32>
      %get3A_429 = arith.index_cast %add3A_420 : i32 to index
      %get3A_430 = arith.constant 32 : index
      %get3A_431 = tpu.vector_load %arg4[%get3A_429, %get3A_430] {strides = array<i32>} : memref<32x200xi32, #tpu.memory_space<vmem>>, vector<16xi32>,
      %add3A_432 = arith.addi %get3A_431, %mul3A_8 : vector<16xi32>
      %get3A_433 = arith.index_cast %add3A_420 : i32 to index
      %get3A_434 = arith.constant 48 : index
      %get3A_435 = tpu.vector_load %arg4[%get3A_433, %get3A_434] {strides = array<i32>} : memref<32x200xi32, #tpu.memory_space<vmem>>, vector<16xi32>,
      %add3A_436 = arith.addi %get3A_435, %mul3A_8 : vector<16xi32>
      %get3A_437 = arith.index_cast %add3A_420 : i32 to index
      %get3A_438 = arith.constant 64 : index
      %get3A_439 = tpu.vector_load %arg4[%get3A_437, %get3A_438] {strides = array<i32>} : memref<32x200xi32, #tpu.memory_space<vmem>>, vector<16xi32>,
      %add3A_440 = arith.addi %get3A_439, %mul3A_8 : vector<16xi32>
      %get3A_441 = arith.index_cast %add3A_420 : i32 to index
      %get3A_442 = arith.constant 80 : index
      %get3A_443 = tpu.vector_load %arg4[%get3A_441, %get3A_442] {strides = array<i32>} : memref<32x200xi32, #tpu.memory_space<vmem>>, vector<16xi32>,
      %add3A_444 = arith.addi %get3A_443, %mul3A_8 : vector<16xi32>
      %get3A_445 = arith.index_cast %add3A_420 : i32 to index
      %get3A_446 = arith.constant 96 : index
      %get3A_447 = tpu.vector_load %arg4[%get3A_445, %get3A_446] {strides = array<i32>} : memref<32x200xi32, #tpu.memory_space<vmem>>, vector<16xi32>,
      %add3A_448 = arith.addi %get3A_447, %mul3A_8 : vector<16xi32>
      %get3A_449 = arith.index_cast %add3A_420 : i32 to index
      %get3A_450 = arith.constant 112 : index
      %get3A_451 = tpu.vector_load %arg4[%get3A_449, %get3A_450] {strides = array<i32>} : memref<32x200xi32, #tpu.memory_space<vmem>>, vector<16xi32>,
      %add3A_452 = arith.addi %get3A_451, %mul3A_8 : vector<16xi32>
      %get3A_453 = arith.index_cast %add3A_420 : i32 to index
      %get3A_454 = arith.constant 128 : index
      %get3A_455 = tpu.vector_load %arg4[%get3A_453, %get3A_454] {strides = array<i32>} : memref<32x200xi32, #tpu.memory_space<vmem>>, vector<16xi32>,
      %add3A_456 = arith.addi %get3A_455, %mul3A_8 : vector<16xi32>
      %get3A_457 = arith.index_cast %add3A_420 : i32 to index
      %get3A_458 = arith.constant 144 : index
      %get3A_459 = tpu.vector_load %arg4[%get3A_457, %get3A_458] {strides = array<i32>} : memref<32x200xi32, #tpu.memory_space<vmem>>, vector<16xi32>,
      %add3A_460 = arith.addi %get3A_459, %mul3A_8 : vector<16xi32>
      %get3A_461 = arith.index_cast %add3A_420 : i32 to index
      %get3A_462 = arith.constant 160 : index
      %get3A_463 = tpu.vector_load %arg4[%get3A_461, %get3A_462] {strides = array<i32>} : memref<32x200xi32, #tpu.memory_space<vmem>>, vector<16xi32>,
      %add3A_464 = arith.addi %get3A_463, %mul3A_8 : vector<16xi32>
      %get3A_465 = arith.index_cast %add3A_420 : i32 to index
      %get3A_466 = arith.constant 176 : index
      %get3A_467 = tpu.vector_load %arg4[%get3A_465, %get3A_466] {strides = array<i32>} : memref<32x200xi32, #tpu.memory_space<vmem>>, vector<16xi32>,
      %add3A_468 = arith.addi %get3A_467, %mul3A_8 : vector<16xi32>
      %get3A_469 = arith.index_cast %add3A_420 : i32 to index
      %get3A_470 = arith.constant 184 : index
      %get3A_471 = tpu.vector_load %arg4[%get3A_469, %get3A_470] {strides = array<i32>} : memref<32x200xi32, #tpu.memory_space<vmem>>, vector<16xi32>,
      %add3A_472 = arith.addi %get3A_471, %mul3A_29 : vector<16xi32>
      tpu.vector_store_idx %arg6[%add3A_424], %broadcast_in_dim3A_3 {add = true} : memref<4096xf32, #tpu.memory_space<vmem>>[vector<16xi32>], vector<16xf32>,
      tpu.vector_store_idx %arg6[%add3A_428], %broadcast_in_dim3A_3 {add = true} : memref<4096xf32, #tpu.memory_space<vmem>>[vector<16xi32>], vector<16xf32>,
      tpu.vector_store_idx %arg6[%add3A_432], %broadcast_in_dim3A_3 {add = true} : memref<4096xf32, #tpu.memory_space<vmem>>[vector<16xi32>], vector<16xf32>,
      tpu.vector_store_idx %arg6[%add3A_436], %broadcast_in_dim3A_3 {add = true} : memref<4096xf32, #tpu.memory_space<vmem>>[vector<16xi32>], vector<16xf32>,
      tpu.vector_store_idx %arg6[%add3A_440], %broadcast_in_dim3A_3 {add = true} : memref<4096xf32, #tpu.memory_space<vmem>>[vector<16xi32>], vector<16xf32>,
      tpu.vector_store_idx %arg6[%add3A_444], %broadcast_in_dim3A_3 {add = true} : memref<4096xf32, #tpu.memory_space<vmem>>[vector<16xi32>], vector<16xf32>,
      tpu.vector_store_idx %arg6[%add3A_448], %broadcast_in_dim3A_3 {add = true} : memref<4096xf32, #tpu.memory_space<vmem>>[vector<16xi32>], vector<16xf32>,
      tpu.vector_store_idx %arg6[%add3A_452], %broadcast_in_dim3A_3 {add = true} : memref<4096xf32, #tpu.memory_space<vmem>>[vector<16xi32>], vector<16xf32>,
      tpu.vector_store_idx %arg6[%add3A_456], %broadcast_in_dim3A_3 {add = true} : memref<4096xf32, #tpu.memory_space<vmem>>[vector<16xi32>], vector<16xf32>,
      tpu.vector_store_idx %arg6[%add3A_460], %broadcast_in_dim3A_3 {add = true} : memref<4096xf32, #tpu.memory_space<vmem>>[vector<16xi32>], vector<16xf32>,
      tpu.vector_store_idx %arg6[%add3A_464], %broadcast_in_dim3A_3 {add = true} : memref<4096xf32, #tpu.memory_space<vmem>>[vector<16xi32>], vector<16xf32>,
      tpu.vector_store_idx %arg6[%add3A_468], %broadcast_in_dim3A_3 {add = true} : memref<4096xf32, #tpu.memory_space<vmem>>[vector<16xi32>], vector<16xf32>,
      tpu.vector_store_idx %arg6[%add3A_472], %broadcast_in_dim3A_3 masked %ge3A_31 {add = true} : memref<4096xf32, #tpu.memory_space<vmem>>[vector<16xi32>], vector<16xf32>, vector<16xi1>
      %add3A_473 = arith.addi %mul3A_2, %mul3A_221 : i32
      %add3A_474 = arith.constant 1 : i32
      %add3A_475 = arith.addi %add3A_473, %add3A_474 : i32
      %dma_start3A_476 = arith.constant 0 : i32
      %dma_start3A_477 = tpu.memref_slice %arg3[%add3A_475, %dma_start3A_476] : memref<1024x4096xf32, #tpu.memory_space<hbm>> -> memref<1x4096xf32, #tpu.memory_space<hbm>>
      %dma_start3A_478 = tpu.memref_squeeze %dma_start3A_477 : memref<1x4096xf32, #tpu.memory_space<hbm>> -> memref<4096xf32, #tpu.memory_space<hbm>>
      %dma_start3A_479 = arith.constant 0 : i32
      %dma_start3A_480 = tpu.memref_slice %arg3[%add3A_475, %dma_start3A_479] : memref<1024x4096xf32, #tpu.memory_space<hbm>> -> memref<1x4096xf32, #tpu.memory_space<hbm>>
      %dma_start3A_481 = tpu.memref_squeeze %dma_start3A_480 : memref<1x4096xf32, #tpu.memory_space<hbm>> -> memref<4096xf32, #tpu.memory_space<hbm>>
      tpu.enqueue_dma source(%arg6 : memref<4096xf32, #tpu.memory_space<vmem>>) target(%dma_start3A_481 : memref<4096xf32, #tpu.memory_space<hbm>>) target_semaphore(%arg8 : memref<!tpu.dma_semaphore, #tpu.memory_space<semaphore_mem>>)
      %scan3A_482 = arith.constant 0 : i32
      scf.yield %scan3A_482 : i32
    }
    %scan3A_195 = arith.constant 15 : i32
    %add3A_196 = arith.constant 32 : i32
    %add3A_197 = arith.addi %mul3A_2, %add3A_196 : i32
    %sub3A = arith.constant 2 : i32
    %sub3A_198 = arith.subi %add3A_197, %sub3A : i32
    %add3A_199 = arith.constant 0 : i32
    %add3A_200 = arith.addi %sub3A_198, %add3A_199 : i32
    %dma_wait3A = arith.constant 0 : i32
    %dma_wait3A_201 = tpu.memref_slice %arg3[%add3A_200, %dma_wait3A] : memref<1024x4096xf32, #tpu.memory_space<hbm>> -> memref<1x4096xf32, #tpu.memory_space<hbm>>
    %dma_wait3A_202 = tpu.memref_squeeze %dma_wait3A_201 : memref<1x4096xf32, #tpu.memory_space<hbm>> -> memref<4096xf32, #tpu.memory_space<hbm>>
    %dma_wait3A_203 = arith.constant 0 : i32
    %dma_wait3A_204 = tpu.memref_slice %arg3[%add3A_200, %dma_wait3A_203] : memref<1024x4096xf32, #tpu.memory_space<hbm>> -> memref<1x4096xf32, #tpu.memory_space<hbm>>
    %dma_wait3A_205 = tpu.memref_squeeze %dma_wait3A_204 : memref<1x4096xf32, #tpu.memory_space<hbm>> -> memref<4096xf32, #tpu.memory_space<hbm>>
    tpu.wait_dma2 semaphore(%arg7 : memref<!tpu.dma_semaphore, #tpu.memory_space<semaphore_mem>>) src(%arg5 : memref<4096xf32, #tpu.memory_space<vmem>>) dst(%dma_wait3A_205 : memref<4096xf32, #tpu.memory_space<hbm>>)
    %add3A_206 = arith.constant 32 : i32
    %add3A_207 = arith.addi %mul3A_2, %add3A_206 : i32
    %sub3A_208 = arith.constant 2 : i32
    %sub3A_209 = arith.subi %add3A_207, %sub3A_208 : i32
    %add3A_210 = arith.constant 1 : i32
    %add3A_211 = arith.addi %sub3A_209, %add3A_210 : i32
    %dma_wait3A_212 = arith.constant 0 : i32
    %dma_wait3A_213 = tpu.memref_slice %arg3[%add3A_211, %dma_wait3A_212] : memref<1024x4096xf32, #tpu.memory_space<hbm>> -> memref<1x4096xf32, #tpu.memory_space<hbm>>
    %dma_wait3A_214 = tpu.memref_squeeze %dma_wait3A_213 : memref<1x4096xf32, #tpu.memory_space<hbm>> -> memref<4096xf32, #tpu.memory_space<hbm>>
    %dma_wait3A_215 = arith.constant 0 : i32
    %dma_wait3A_216 = tpu.memref_slice %arg3[%add3A_211, %dma_wait3A_215] : memref<1024x4096xf32, #tpu.memory_space<hbm>> -> memref<1x4096xf32, #tpu.memory_space<hbm>>
    %dma_wait3A_217 = tpu.memref_squeeze %dma_wait3A_216 : memref<1x4096xf32, #tpu.memory_space<hbm>> -> memref<4096xf32, #tpu.memory_space<hbm>>
    tpu.wait_dma2 semaphore(%arg8 : memref<!tpu.dma_semaphore, #tpu.memory_space<semaphore_mem>>) src(%arg6 : memref<4096xf32, #tpu.memory_space<vmem>>) dst(%dma_wait3A_217 : memref<4096xf32, #tpu.memory_space<hbm>>)
    return
  }
}

module attributes {stable_mosaic.version = 14 : i64} {
  func.func @_mm_body(%arg0: i32, %arg1: memref<512x4096xf32, #tpu.memory_space<vmem>>, %arg2: memref<256x512xf32, #tpu.memory_space<vmem>>, %arg3: memref<16x512xf32, #tpu.memory_space<vmem>>, %arg4: memref<512x512xf32, #tpu.memory_space<vmem>>, %arg5: memref<4096x512xbf16, #tpu.memory_space<vmem>>) attributes {dimension_semantics = [#tpu.dimension_semantics<arbitrary>], iteration_bounds = array<i64: 2>, scalar_prefetch = 0 : i64, scratch_operands = 1 : i64, tpu.core_type = #tpu.core_type<tc>, window_params = [{transform_indices = @transform_0, window_bounds = array<i64: 512, 4096>}, {pipeline_mode = #tpu.pipeline_mode<synchronous>, transform_indices = @transform_1, window_bounds = array<i64: 256, 512>}, {pipeline_mode = #tpu.pipeline_mode<synchronous>, transform_indices = @transform_2, window_bounds = array<i64: 16, 512>}, {transform_indices = @transform_3, window_bounds = array<i64: 512, 512>}]} {
    %eq3A = arith.constant 0 : i32
    %eq3A_0 = arith.cmpi eq, %arg0, %eq3A : i32
    %convert_element_type3A = arith.extui %eq3A_0 : i1 to i32
    %cond3A = arith.constant 0 : i32
    %cond3A_1 = arith.cmpi ne, %convert_element_type3A, %cond3A : i32
    scf.if %cond3A_1 {
      %get3A_14 = arith.constant 0 : index
      %get3A_15 = arith.constant 0 : index
      %get3A_16 = vector.load %arg2[%get3A_14, %get3A_15] : memref<256x512xf32, #tpu.memory_space<vmem>>, vector<256x512xf32>
      %get3A_17 = arith.constant 0 : index
      %get3A_18 = arith.constant 0 : index
      %get3A_19 = vector.load %arg3[%get3A_17, %get3A_18] : memref<16x512xf32, #tpu.memory_space<vmem>>, vector<1x512xf32>
      %get3A_20 = vector.shape_cast %get3A_19 : vector<1x512xf32> to vector<512xf32>
      %broadcast_in_dim3A_21 = vector.shape_cast %get3A_20 : vector<512xf32> to vector<1x512xf32>
      %mul3A_22 = vector.broadcast %broadcast_in_dim3A_21 : vector<1x512xf32> to vector<256x512xf32>
      %mul3A_23 = arith.mulf %get3A_16, %mul3A_22 : vector<256x512xf32>
      %convert_element_type3A_24 = arith.truncf %mul3A_23 : vector<256x512xf32> to vector<256x512xbf16>
      %swap3A_25 = arith.constant 0 : index
      %swap3A_26 = arith.constant 0 : index
      %swap3A_27 = vector.load %arg5[%swap3A_25, %swap3A_26] : memref<4096x512xbf16, #tpu.memory_space<vmem>>, vector<256x512xbf16>
      tpu.vector_store %arg5[%swap3A_25, %swap3A_26], %convert_element_type3A_24 {strides = array<i32>} : memref<4096x512xbf16, #tpu.memory_space<vmem>>, vector<256x512xbf16>,
      %get3A_28 = arith.constant 1 : index
      %get3A_29 = arith.constant 0 : index
      %get3A_30 = vector.load %arg3[%get3A_28, %get3A_29] : memref<16x512xf32, #tpu.memory_space<vmem>>, vector<1x512xf32>
      %get3A_31 = vector.shape_cast %get3A_30 : vector<1x512xf32> to vector<512xf32>
      %broadcast_in_dim3A_32 = vector.shape_cast %get3A_31 : vector<512xf32> to vector<1x512xf32>
      %mul3A_33 = vector.broadcast %broadcast_in_dim3A_32 : vector<1x512xf32> to vector<256x512xf32>
      %mul3A_34 = arith.mulf %get3A_16, %mul3A_33 : vector<256x512xf32>
      %convert_element_type3A_35 = arith.truncf %mul3A_34 : vector<256x512xf32> to vector<256x512xbf16>
      %swap3A_36 = arith.constant 256 : index
      %swap3A_37 = arith.constant 0 : index
      %swap3A_38 = vector.load %arg5[%swap3A_36, %swap3A_37] : memref<4096x512xbf16, #tpu.memory_space<vmem>>, vector<256x512xbf16>
      tpu.vector_store %arg5[%swap3A_36, %swap3A_37], %convert_element_type3A_35 {strides = array<i32>} : memref<4096x512xbf16, #tpu.memory_space<vmem>>, vector<256x512xbf16>,
      %get3A_39 = arith.constant 2 : index
      %get3A_40 = arith.constant 0 : index
      %get3A_41 = vector.load %arg3[%get3A_39, %get3A_40] : memref<16x512xf32, #tpu.memory_space<vmem>>, vector<1x512xf32>
      %get3A_42 = vector.shape_cast %get3A_41 : vector<1x512xf32> to vector<512xf32>
      %broadcast_in_dim3A_43 = vector.shape_cast %get3A_42 : vector<512xf32> to vector<1x512xf32>
      %mul3A_44 = vector.broadcast %broadcast_in_dim3A_43 : vector<1x512xf32> to vector<256x512xf32>
      %mul3A_45 = arith.mulf %get3A_16, %mul3A_44 : vector<256x512xf32>
      %convert_element_type3A_46 = arith.truncf %mul3A_45 : vector<256x512xf32> to vector<256x512xbf16>
      %swap3A_47 = arith.constant 512 : index
      %swap3A_48 = arith.constant 0 : index
      %swap3A_49 = vector.load %arg5[%swap3A_47, %swap3A_48] : memref<4096x512xbf16, #tpu.memory_space<vmem>>, vector<256x512xbf16>
      tpu.vector_store %arg5[%swap3A_47, %swap3A_48], %convert_element_type3A_46 {strides = array<i32>} : memref<4096x512xbf16, #tpu.memory_space<vmem>>, vector<256x512xbf16>,
      %get3A_50 = arith.constant 3 : index
      %get3A_51 = arith.constant 0 : index
      %get3A_52 = vector.load %arg3[%get3A_50, %get3A_51] : memref<16x512xf32, #tpu.memory_space<vmem>>, vector<1x512xf32>
      %get3A_53 = vector.shape_cast %get3A_52 : vector<1x512xf32> to vector<512xf32>
      %broadcast_in_dim3A_54 = vector.shape_cast %get3A_53 : vector<512xf32> to vector<1x512xf32>
      %mul3A_55 = vector.broadcast %broadcast_in_dim3A_54 : vector<1x512xf32> to vector<256x512xf32>
      %mul3A_56 = arith.mulf %get3A_16, %mul3A_55 : vector<256x512xf32>
      %convert_element_type3A_57 = arith.truncf %mul3A_56 : vector<256x512xf32> to vector<256x512xbf16>
      %swap3A_58 = arith.constant 768 : index
      %swap3A_59 = arith.constant 0 : index
      %swap3A_60 = vector.load %arg5[%swap3A_58, %swap3A_59] : memref<4096x512xbf16, #tpu.memory_space<vmem>>, vector<256x512xbf16>
      tpu.vector_store %arg5[%swap3A_58, %swap3A_59], %convert_element_type3A_57 {strides = array<i32>} : memref<4096x512xbf16, #tpu.memory_space<vmem>>, vector<256x512xbf16>,
      %get3A_61 = arith.constant 4 : index
      %get3A_62 = arith.constant 0 : index
      %get3A_63 = vector.load %arg3[%get3A_61, %get3A_62] : memref<16x512xf32, #tpu.memory_space<vmem>>, vector<1x512xf32>
      %get3A_64 = vector.shape_cast %get3A_63 : vector<1x512xf32> to vector<512xf32>
      %broadcast_in_dim3A_65 = vector.shape_cast %get3A_64 : vector<512xf32> to vector<1x512xf32>
      %mul3A_66 = vector.broadcast %broadcast_in_dim3A_65 : vector<1x512xf32> to vector<256x512xf32>
      %mul3A_67 = arith.mulf %get3A_16, %mul3A_66 : vector<256x512xf32>
      %convert_element_type3A_68 = arith.truncf %mul3A_67 : vector<256x512xf32> to vector<256x512xbf16>
      %swap3A_69 = arith.constant 1024 : index
      %swap3A_70 = arith.constant 0 : index
      %swap3A_71 = vector.load %arg5[%swap3A_69, %swap3A_70] : memref<4096x512xbf16, #tpu.memory_space<vmem>>, vector<256x512xbf16>
      tpu.vector_store %arg5[%swap3A_69, %swap3A_70], %convert_element_type3A_68 {strides = array<i32>} : memref<4096x512xbf16, #tpu.memory_space<vmem>>, vector<256x512xbf16>,
      %get3A_72 = arith.constant 5 : index
      %get3A_73 = arith.constant 0 : index
      %get3A_74 = vector.load %arg3[%get3A_72, %get3A_73] : memref<16x512xf32, #tpu.memory_space<vmem>>, vector<1x512xf32>
      %get3A_75 = vector.shape_cast %get3A_74 : vector<1x512xf32> to vector<512xf32>
      %broadcast_in_dim3A_76 = vector.shape_cast %get3A_75 : vector<512xf32> to vector<1x512xf32>
      %mul3A_77 = vector.broadcast %broadcast_in_dim3A_76 : vector<1x512xf32> to vector<256x512xf32>
      %mul3A_78 = arith.mulf %get3A_16, %mul3A_77 : vector<256x512xf32>
      %convert_element_type3A_79 = arith.truncf %mul3A_78 : vector<256x512xf32> to vector<256x512xbf16>
      %swap3A_80 = arith.constant 1280 : index
      %swap3A_81 = arith.constant 0 : index
      %swap3A_82 = vector.load %arg5[%swap3A_80, %swap3A_81] : memref<4096x512xbf16, #tpu.memory_space<vmem>>, vector<256x512xbf16>
      tpu.vector_store %arg5[%swap3A_80, %swap3A_81], %convert_element_type3A_79 {strides = array<i32>} : memref<4096x512xbf16, #tpu.memory_space<vmem>>, vector<256x512xbf16>,
      %get3A_83 = arith.constant 6 : index
      %get3A_84 = arith.constant 0 : index
      %get3A_85 = vector.load %arg3[%get3A_83, %get3A_84] : memref<16x512xf32, #tpu.memory_space<vmem>>, vector<1x512xf32>
      %get3A_86 = vector.shape_cast %get3A_85 : vector<1x512xf32> to vector<512xf32>
      %broadcast_in_dim3A_87 = vector.shape_cast %get3A_86 : vector<512xf32> to vector<1x512xf32>
      %mul3A_88 = vector.broadcast %broadcast_in_dim3A_87 : vector<1x512xf32> to vector<256x512xf32>
      %mul3A_89 = arith.mulf %get3A_16, %mul3A_88 : vector<256x512xf32>
      %convert_element_type3A_90 = arith.truncf %mul3A_89 : vector<256x512xf32> to vector<256x512xbf16>
      %swap3A_91 = arith.constant 1536 : index
      %swap3A_92 = arith.constant 0 : index
      %swap3A_93 = vector.load %arg5[%swap3A_91, %swap3A_92] : memref<4096x512xbf16, #tpu.memory_space<vmem>>, vector<256x512xbf16>
      tpu.vector_store %arg5[%swap3A_91, %swap3A_92], %convert_element_type3A_90 {strides = array<i32>} : memref<4096x512xbf16, #tpu.memory_space<vmem>>, vector<256x512xbf16>,
      %get3A_94 = arith.constant 7 : index
      %get3A_95 = arith.constant 0 : index
      %get3A_96 = vector.load %arg3[%get3A_94, %get3A_95] : memref<16x512xf32, #tpu.memory_space<vmem>>, vector<1x512xf32>
      %get3A_97 = vector.shape_cast %get3A_96 : vector<1x512xf32> to vector<512xf32>
      %broadcast_in_dim3A_98 = vector.shape_cast %get3A_97 : vector<512xf32> to vector<1x512xf32>
      %mul3A_99 = vector.broadcast %broadcast_in_dim3A_98 : vector<1x512xf32> to vector<256x512xf32>
      %mul3A_100 = arith.mulf %get3A_16, %mul3A_99 : vector<256x512xf32>
      %convert_element_type3A_101 = arith.truncf %mul3A_100 : vector<256x512xf32> to vector<256x512xbf16>
      %swap3A_102 = arith.constant 1792 : index
      %swap3A_103 = arith.constant 0 : index
      %swap3A_104 = vector.load %arg5[%swap3A_102, %swap3A_103] : memref<4096x512xbf16, #tpu.memory_space<vmem>>, vector<256x512xbf16>
      tpu.vector_store %arg5[%swap3A_102, %swap3A_103], %convert_element_type3A_101 {strides = array<i32>} : memref<4096x512xbf16, #tpu.memory_space<vmem>>, vector<256x512xbf16>,
      %get3A_105 = arith.constant 8 : index
      %get3A_106 = arith.constant 0 : index
      %get3A_107 = vector.load %arg3[%get3A_105, %get3A_106] : memref<16x512xf32, #tpu.memory_space<vmem>>, vector<1x512xf32>
      %get3A_108 = vector.shape_cast %get3A_107 : vector<1x512xf32> to vector<512xf32>
      %broadcast_in_dim3A_109 = vector.shape_cast %get3A_108 : vector<512xf32> to vector<1x512xf32>
      %mul3A_110 = vector.broadcast %broadcast_in_dim3A_109 : vector<1x512xf32> to vector<256x512xf32>
      %mul3A_111 = arith.mulf %get3A_16, %mul3A_110 : vector<256x512xf32>
      %convert_element_type3A_112 = arith.truncf %mul3A_111 : vector<256x512xf32> to vector<256x512xbf16>
      %swap3A_113 = arith.constant 2048 : index
      %swap3A_114 = arith.constant 0 : index
      %swap3A_115 = vector.load %arg5[%swap3A_113, %swap3A_114] : memref<4096x512xbf16, #tpu.memory_space<vmem>>, vector<256x512xbf16>
      tpu.vector_store %arg5[%swap3A_113, %swap3A_114], %convert_element_type3A_112 {strides = array<i32>} : memref<4096x512xbf16, #tpu.memory_space<vmem>>, vector<256x512xbf16>,
      %get3A_116 = arith.constant 9 : index
      %get3A_117 = arith.constant 0 : index
      %get3A_118 = vector.load %arg3[%get3A_116, %get3A_117] : memref<16x512xf32, #tpu.memory_space<vmem>>, vector<1x512xf32>
      %get3A_119 = vector.shape_cast %get3A_118 : vector<1x512xf32> to vector<512xf32>
      %broadcast_in_dim3A_120 = vector.shape_cast %get3A_119 : vector<512xf32> to vector<1x512xf32>
      %mul3A_121 = vector.broadcast %broadcast_in_dim3A_120 : vector<1x512xf32> to vector<256x512xf32>
      %mul3A_122 = arith.mulf %get3A_16, %mul3A_121 : vector<256x512xf32>
      %convert_element_type3A_123 = arith.truncf %mul3A_122 : vector<256x512xf32> to vector<256x512xbf16>
      %swap3A_124 = arith.constant 2304 : index
      %swap3A_125 = arith.constant 0 : index
      %swap3A_126 = vector.load %arg5[%swap3A_124, %swap3A_125] : memref<4096x512xbf16, #tpu.memory_space<vmem>>, vector<256x512xbf16>
      tpu.vector_store %arg5[%swap3A_124, %swap3A_125], %convert_element_type3A_123 {strides = array<i32>} : memref<4096x512xbf16, #tpu.memory_space<vmem>>, vector<256x512xbf16>,
      %get3A_127 = arith.constant 10 : index
      %get3A_128 = arith.constant 0 : index
      %get3A_129 = vector.load %arg3[%get3A_127, %get3A_128] : memref<16x512xf32, #tpu.memory_space<vmem>>, vector<1x512xf32>
      %get3A_130 = vector.shape_cast %get3A_129 : vector<1x512xf32> to vector<512xf32>
      %broadcast_in_dim3A_131 = vector.shape_cast %get3A_130 : vector<512xf32> to vector<1x512xf32>
      %mul3A_132 = vector.broadcast %broadcast_in_dim3A_131 : vector<1x512xf32> to vector<256x512xf32>
      %mul3A_133 = arith.mulf %get3A_16, %mul3A_132 : vector<256x512xf32>
      %convert_element_type3A_134 = arith.truncf %mul3A_133 : vector<256x512xf32> to vector<256x512xbf16>
      %swap3A_135 = arith.constant 2560 : index
      %swap3A_136 = arith.constant 0 : index
      %swap3A_137 = vector.load %arg5[%swap3A_135, %swap3A_136] : memref<4096x512xbf16, #tpu.memory_space<vmem>>, vector<256x512xbf16>
      tpu.vector_store %arg5[%swap3A_135, %swap3A_136], %convert_element_type3A_134 {strides = array<i32>} : memref<4096x512xbf16, #tpu.memory_space<vmem>>, vector<256x512xbf16>,
      %get3A_138 = arith.constant 11 : index
      %get3A_139 = arith.constant 0 : index
      %get3A_140 = vector.load %arg3[%get3A_138, %get3A_139] : memref<16x512xf32, #tpu.memory_space<vmem>>, vector<1x512xf32>
      %get3A_141 = vector.shape_cast %get3A_140 : vector<1x512xf32> to vector<512xf32>
      %broadcast_in_dim3A_142 = vector.shape_cast %get3A_141 : vector<512xf32> to vector<1x512xf32>
      %mul3A_143 = vector.broadcast %broadcast_in_dim3A_142 : vector<1x512xf32> to vector<256x512xf32>
      %mul3A_144 = arith.mulf %get3A_16, %mul3A_143 : vector<256x512xf32>
      %convert_element_type3A_145 = arith.truncf %mul3A_144 : vector<256x512xf32> to vector<256x512xbf16>
      %swap3A_146 = arith.constant 2816 : index
      %swap3A_147 = arith.constant 0 : index
      %swap3A_148 = vector.load %arg5[%swap3A_146, %swap3A_147] : memref<4096x512xbf16, #tpu.memory_space<vmem>>, vector<256x512xbf16>
      tpu.vector_store %arg5[%swap3A_146, %swap3A_147], %convert_element_type3A_145 {strides = array<i32>} : memref<4096x512xbf16, #tpu.memory_space<vmem>>, vector<256x512xbf16>,
      %get3A_149 = arith.constant 12 : index
      %get3A_150 = arith.constant 0 : index
      %get3A_151 = vector.load %arg3[%get3A_149, %get3A_150] : memref<16x512xf32, #tpu.memory_space<vmem>>, vector<1x512xf32>
      %get3A_152 = vector.shape_cast %get3A_151 : vector<1x512xf32> to vector<512xf32>
      %broadcast_in_dim3A_153 = vector.shape_cast %get3A_152 : vector<512xf32> to vector<1x512xf32>
      %mul3A_154 = vector.broadcast %broadcast_in_dim3A_153 : vector<1x512xf32> to vector<256x512xf32>
      %mul3A_155 = arith.mulf %get3A_16, %mul3A_154 : vector<256x512xf32>
      %convert_element_type3A_156 = arith.truncf %mul3A_155 : vector<256x512xf32> to vector<256x512xbf16>
      %swap3A_157 = arith.constant 3072 : index
      %swap3A_158 = arith.constant 0 : index
      %swap3A_159 = vector.load %arg5[%swap3A_157, %swap3A_158] : memref<4096x512xbf16, #tpu.memory_space<vmem>>, vector<256x512xbf16>
      tpu.vector_store %arg5[%swap3A_157, %swap3A_158], %convert_element_type3A_156 {strides = array<i32>} : memref<4096x512xbf16, #tpu.memory_space<vmem>>, vector<256x512xbf16>,
      %get3A_160 = arith.constant 13 : index
      %get3A_161 = arith.constant 0 : index
      %get3A_162 = vector.load %arg3[%get3A_160, %get3A_161] : memref<16x512xf32, #tpu.memory_space<vmem>>, vector<1x512xf32>
      %get3A_163 = vector.shape_cast %get3A_162 : vector<1x512xf32> to vector<512xf32>
      %broadcast_in_dim3A_164 = vector.shape_cast %get3A_163 : vector<512xf32> to vector<1x512xf32>
      %mul3A_165 = vector.broadcast %broadcast_in_dim3A_164 : vector<1x512xf32> to vector<256x512xf32>
      %mul3A_166 = arith.mulf %get3A_16, %mul3A_165 : vector<256x512xf32>
      %convert_element_type3A_167 = arith.truncf %mul3A_166 : vector<256x512xf32> to vector<256x512xbf16>
      %swap3A_168 = arith.constant 3328 : index
      %swap3A_169 = arith.constant 0 : index
      %swap3A_170 = vector.load %arg5[%swap3A_168, %swap3A_169] : memref<4096x512xbf16, #tpu.memory_space<vmem>>, vector<256x512xbf16>
      tpu.vector_store %arg5[%swap3A_168, %swap3A_169], %convert_element_type3A_167 {strides = array<i32>} : memref<4096x512xbf16, #tpu.memory_space<vmem>>, vector<256x512xbf16>,
      %get3A_171 = arith.constant 14 : index
      %get3A_172 = arith.constant 0 : index
      %get3A_173 = vector.load %arg3[%get3A_171, %get3A_172] : memref<16x512xf32, #tpu.memory_space<vmem>>, vector<1x512xf32>
      %get3A_174 = vector.shape_cast %get3A_173 : vector<1x512xf32> to vector<512xf32>
      %broadcast_in_dim3A_175 = vector.shape_cast %get3A_174 : vector<512xf32> to vector<1x512xf32>
      %mul3A_176 = vector.broadcast %broadcast_in_dim3A_175 : vector<1x512xf32> to vector<256x512xf32>
      %mul3A_177 = arith.mulf %get3A_16, %mul3A_176 : vector<256x512xf32>
      %convert_element_type3A_178 = arith.truncf %mul3A_177 : vector<256x512xf32> to vector<256x512xbf16>
      %swap3A_179 = arith.constant 3584 : index
      %swap3A_180 = arith.constant 0 : index
      %swap3A_181 = vector.load %arg5[%swap3A_179, %swap3A_180] : memref<4096x512xbf16, #tpu.memory_space<vmem>>, vector<256x512xbf16>
      tpu.vector_store %arg5[%swap3A_179, %swap3A_180], %convert_element_type3A_178 {strides = array<i32>} : memref<4096x512xbf16, #tpu.memory_space<vmem>>, vector<256x512xbf16>,
      %get3A_182 = arith.constant 15 : index
      %get3A_183 = arith.constant 0 : index
      %get3A_184 = vector.load %arg3[%get3A_182, %get3A_183] : memref<16x512xf32, #tpu.memory_space<vmem>>, vector<1x512xf32>
      %get3A_185 = vector.shape_cast %get3A_184 : vector<1x512xf32> to vector<512xf32>
      %broadcast_in_dim3A_186 = vector.shape_cast %get3A_185 : vector<512xf32> to vector<1x512xf32>
      %mul3A_187 = vector.broadcast %broadcast_in_dim3A_186 : vector<1x512xf32> to vector<256x512xf32>
      %mul3A_188 = arith.mulf %get3A_16, %mul3A_187 : vector<256x512xf32>
      %convert_element_type3A_189 = arith.truncf %mul3A_188 : vector<256x512xf32> to vector<256x512xbf16>
      %swap3A_190 = arith.constant 3840 : index
      %swap3A_191 = arith.constant 0 : index
      %swap3A_192 = vector.load %arg5[%swap3A_190, %swap3A_191] : memref<4096x512xbf16, #tpu.memory_space<vmem>>, vector<256x512xbf16>
      tpu.vector_store %arg5[%swap3A_190, %swap3A_191], %convert_element_type3A_189 {strides = array<i32>} : memref<4096x512xbf16, #tpu.memory_space<vmem>>, vector<256x512xbf16>,
    } else {
    }
    %get3A = arith.constant 0 : index
    %get3A_2 = arith.constant 0 : index
    %get3A_3 = vector.load %arg1[%get3A, %get3A_2] : memref<512x4096xf32, #tpu.memory_space<vmem>>, vector<512x4096xf32>
    %convert_element_type3A_4 = arith.truncf %get3A_3 : vector<512x4096xf32> to vector<512x4096xbf16>
    %get3A_5 = arith.constant 0 : index
    %get3A_6 = arith.constant 0 : index
    %get3A_7 = vector.load %arg5[%get3A_5, %get3A_6] : memref<4096x512xbf16, #tpu.memory_space<vmem>>, vector<4096x512xbf16>
    %dot_general3A = arith.constant dense<0.000000e+00> : vector<512x512xf32>
    %dot_general3A_8 = tpu.matmul %convert_element_type3A_4, %get3A_7, %dot_general3A {dimension_numbers = #tpu.dot_dimension_numbers<[1], [0], [0], [1], [0, 0, 1, 1], [], []>, transpose_lhs_hint = false} : vector<512x4096xbf16>, vector<4096x512xbf16>, vector<512x512xf32> -> vector<512x512xf32>
    %mul3A = arith.mulf %dot_general3A_8, %dot_general3A_8 : vector<512x512xf32>
    %reduce_sum3A = arith.constant dense<0.000000e+00> : vector<512xf32>
    %reduce_sum3A_9 = vector.multi_reduction <add>, %mul3A, %reduce_sum3A [1] : vector<512x512xf32> to vector<512xf32>
    %broadcast_in_dim3A = vector.shape_cast %reduce_sum3A_9 : vector<512xf32> to vector<512x1xf32>
    %rsqrt3A = math.rsqrt %broadcast_in_dim3A : vector<512x1xf32>
    %mul3A_10 = vector.broadcast %rsqrt3A : vector<512x1xf32> to vector<512x512xf32>
    %mul3A_11 = arith.mulf %dot_general3A_8, %mul3A_10 : vector<512x512xf32>
    %swap3A = arith.constant 0 : index
    %swap3A_12 = arith.constant 0 : index
    %swap3A_13 = vector.load %arg4[%swap3A, %swap3A_12] : memref<512x512xf32, #tpu.memory_space<vmem>>, vector<512x512xf32>
    tpu.vector_store %arg4[%swap3A, %swap3A_12], %mul3A_11 {strides = array<i32>} : memref<512x512xf32, #tpu.memory_space<vmem>>, vector<512x512xf32>,
    return
  }
  func.func @transform_0(%arg0: i32) -> (i32, i32) {
    %c0_i32 = arith.constant 0 : i32
    %c0_i32_0 = arith.constant 0 : i32
    return %arg0, %c0_i32 : i32, i32
  }
  func.func @transform_1(%arg0: i32) -> (i32, i32) {
    %c0_i32 = arith.constant 0 : i32
    %c0_i32_0 = arith.constant 0 : i32
    %c0_i32_1 = arith.constant 0 : i32
    return %c0_i32, %c0_i32_0 : i32, i32
  }
  func.func @transform_2(%arg0: i32) -> (i32, i32) {
    %c0_i32 = arith.constant 0 : i32
    %c0_i32_0 = arith.constant 0 : i32
    %c0_i32_1 = arith.constant 0 : i32
    return %c0_i32, %c0_i32_0 : i32, i32
  }
  func.func @transform_3(%arg0: i32) -> (i32, i32) {
    %c0_i32 = arith.constant 0 : i32
    %c0_i32_0 = arith.constant 0 : i32
    return %arg0, %c0_i32 : i32, i32
  }
}

</mosaic_0001>

<sc_bundles>
// kernel: kernel.4.cloned.1.call-start
scs
__scs_entry_jumppad:
0x0: {  	(pc) =	sbr.rel $0x88, $3  }
0x1: {  	(tag) =	ssettag $0x0;
	lr =	simm.s32 $0x1  }
0x2: {  	[smem:$0x3F9E] =	sst lr;
	_ =	strace $0xD0000000  }
0x3: {  	_ = 	snop  }
0x4: {  	_ = 	snop  }
0x5: {  	_ = 	snop  }
0x6: {  	_ = 	snop  }
0x7: {  	_ = 	snop  }
__scs_overlays_trampoline_lowered:
0x8: {  	[smem:$0x3FAD] =	sst s0  }
0x9: {  	[smem:$0x3FAE] =	sst s1  }
0xa: {  	[smem:$0x3FAF] =	sst s2  }
0xb: {  	[smem:$0x3FB0] =	sst s3  }
0xc: {  	[smem:$0x3FB1] =	sst s4  }
0xd: {  	[smem:$0x3FB2] =	sst s5  }
0xe: {  	[smem:$0x3FB3] =	sst s6  }
0xf: {  	[smem:$0x3FB4] =	sst s7  }
0x10: {  	[smem:$0x3FB5] =	sst s8  }
0x11: {  	[smem:$0x3FB6] =	sst s9;
	s0 =	simm.s32 @!p0 $0x0  }
0x12: {  	s1 =	sld [smem:$0x3F9C];
	s0 =	simm.s32 @p0 $0x1  }
0x13: {  	[smem:$0x3FB7] =	sst s0;
	s0 =	simm.s32 @!p1 $0x0  }
0x14: {  	s2 =	sld [smem:$0x3F9B];
	s0 =	simm.s32 @p1 $0x1  }
0x15: {  	[smem:$0x3FB8] =	sst s0;
	s0 =	simm.s32 @!p2 $0x0  }
0x16: {  	s3 =	sld [smem:$0x3FDB];
	s0 =	simm.s32 @p2 $0x1  }
0x17: {  	s4 =	simm.s32 $0x1BF5;
	[smem:$0x3FBA] =	sst s0  }
0x18: {  	s0 =	sld [smem:$0x3F9D];
	_ =	swait.ge [sflag:s4], $0x0  }
0x19: {  	s7 =	sld [smem:$0x3F9E]  }
0x1a: {  	s8 =	sadd.s32 $0xFFFFE003, lr  }
0x1b: {  	s9 =	sadd.s32 $0xFFFFFEF7, lr;
	s5 =	simm.s32 $0xFFFFFFFF;
	p2 =	slt.u32 s8, $0xFFFFF086  }
0x1c: {  	p1 =	slt.u32 s9, $0xF7A;
	s5 =	simm.s32 @!p2 $0x0  }
0x1d: {  	s5 =	simm.s32 @p1 $0x1;
	p0 =	seq.s32 s7, s2  }
0x1e: {  	s7 =	smul.u32 @!p0 $0xF7A, s2;
	p2 =	seq.s32 @!p0 s5, $0x0  }
0x1f: {  	s9 =	smul.u32 $0xF7A, s1;
	s8 =	simm.s32 @!p0 $0x1BF5;
	p2 =	por !p2, p0  }
0x20: {  	[sflag:s8] =	ssyncset.s32 @!p0 $0xFFFFF086;
	s6 =	sadd.s32 @!p0 s3, s7;
	s7 =	simm.s32 @!p0 $0x108  }
0x21: {  	s3 =	sadd.s32 s3, s9;
	s6 =	sadd.s32 @!p0 $0x88, s6;
	s7 =	simm.s32 @p2 $0x1082  }
0x22: {  	[simem:s7], [sflag:s8] =	dma.local @!p0 [hbm:s6], $0xF7A  }
0x23: {  	s9 =	sor.u32 $0xD0000000, s2;
	s6 =	simm.s32 $0x108;
	_ =	swait.ge @!p0 [sflag:s8], $0x0  }
0x24: {  	s3 =	sadd.s32 $0x88, s3;
	s6 =	simm.s32 @!p1 $0x1082;
	[sflag:s4] =	ssyncset.s32 $0xFFFFF086  }
0x25: {  	[simem:s6], [sflag:s4] =	dma.local [hbm:s3], $0xF7A  }
0x26: {  	[smem:$0x3F9E] =	sst s1;
	(tag) =	ssettag s2;
	_ =	strace s9  }
0x27: {  	s1 =	sld [smem:$0x3FAE]  }
0x28: {  	s2 =	sld [smem:$0x3FAF]  }
0x29: {  	s4 =	sld [smem:$0x3FB1]  }
0x2a: {  	p0 =	seq.s32 s5, $0x0;
	s5 =	sld [smem:$0x3FB2]  }
0x2b: {  	s6 =	sld [smem:$0x3FB3]  }
0x2c: {  	s7 =	sld [smem:$0x3FB4]  }
0x2d: {  	s3 =	simm.s32 $0x108;
	s8 =	sld [smem:$0x3FB5]  }
0x2e: {  	s3 =	simm.s32 @!p0 $0x1082;
	s9 =	sld [smem:$0x3FB6]  }
0x2f: {  	lr =	sadd.s32 s0, s3;
	s0 =	sld [smem:$0x3FAD]  }
0x30: {  	s3 =	sld [smem:$0x3FB0]  }
0x31: {  	[smem:$0x3FB9] =	sst s10  }
0x32: {  	s10 =	sld [smem:$0x3FB7];
	_ =	sdelay $0x3  }
0x33: {  	p0 =	seq.s32 s10, $0x1;
	s10 =	sld [smem:$0x3FB9];
	_ =	sdelay $0x3  }
0x34: {  	[smem:$0x3FB9] =	sst s10  }
0x35: {  	s10 =	sld [smem:$0x3FB8];
	_ =	sdelay $0x3  }
0x36: {  	p1 =	seq.s32 s10, $0x1;
	s10 =	sld [smem:$0x3FB9];
	_ =	sdelay $0x3  }
0x37: {  	[smem:$0x3FB9] =	sst s10  }
0x38: {  	s10 =	sld [smem:$0x3FBA]  }
0x39: {  	_ = 	snop;
	(pc) =	sbr.ind lr, $3  }
0x3a: {  	_ = 	snop  }
0x3b: {  	_ = 	snop  }
0x3c: {  	p2 =	seq.s32 s10, $0x1;
	s10 =	sld [smem:$0x3FB9]  }
0x3d: {  	_ =	shalt  }
0x3e: {  	_ =	shalt  }
0x3f: {  	_ =	shalt  }
0x40: {  	_ =	shalt  }
0x41: {  	_ =	shalt  }
0x42: {  	_ =	shalt  }
0x43: {  	_ =	shalt  }
0x44: {  	_ =	shalt  }
0x45: {  	_ =	shalt  }
0x46: {  	_ =	shalt  }
0x47: {  	_ =	shalt  }
0x48: {  	_ =	shalt  }
0x49: {  	_ =	shalt  }
0x4a: {  	_ =	shalt  }
0x4b: {  	_ =	shalt  }
0x4c: {  	_ =	shalt  }
0x4d: {  	_ =	shalt  }
0x4e: {  	_ =	shalt  }
0x4f: {  	_ =	shalt  }
0x50: {  	_ =	shalt  }
0x51: {  	_ =	shalt  }
0x52: {  	_ =	shalt  }
0x53: {  	_ =	shalt  }
0x54: {  	_ =	shalt  }
0x55: {  	_ =	shalt  }
0x56: {  	_ =	shalt  }
0x57: {  	_ =	shalt  }
0x58: {  	_ =	shalt  }
0x59: {  	_ =	shalt  }
0x5a: {  	_ =	shalt  }
0x5b: {  	_ =	shalt  }
0x5c: {  	_ =	shalt  }
0x5d: {  	_ =	shalt  }
0x5e: {  	_ =	shalt  }
0x5f: {  	_ =	shalt  }
0x60: {  	_ =	shalt  }
0x61: {  	_ =	shalt  }
0x62: {  	_ =	shalt  }
0x63: {  	_ =	shalt  }
0x64: {  	_ =	shalt  }
0x65: {  	_ =	shalt  }
0x66: {  	_ =	shalt  }
0x67: {  	_ =	shalt  }
0x68: {  	_ =	shalt  }
0x69: {  	_ =	shalt  }
0x6a: {  	_ =	shalt  }
0x6b: {  	_ =	shalt  }
0x6c: {  	_ =	shalt  }
0x6d: {  	_ =	shalt  }
0x6e: {  	_ =	shalt  }
0x6f: {  	_ =	shalt  }
0x70: {  	_ =	shalt  }
0x71: {  	_ =	shalt  }
0x72: {  	_ =	shalt  }
0x73: {  	_ =	shalt  }
0x74: {  	_ =	shalt  }
0x75: {  	_ =	shalt  }
0x76: {  	_ =	shalt  }
0x77: {  	_ =	shalt  }
0x78: {  	_ =	shalt  }
0x79: {  	_ =	shalt  }
0x7a: {  	_ =	shalt  }
0x7b: {  	_ =	shalt  }
0x7c: {  	_ =	shalt  }
0x7d: {  	_ =	shalt  }
0x7e: {  	_ =	shalt  }
0x7f: {  	_ =	shalt  }
0x80: {  	_ =	shalt  }
0x81: {  	_ =	shalt  }
0x82: {  	_ =	shalt  }
0x83: {  	_ =	shalt  }
0x84: {  	_ =	shalt  }
0x85: {  	_ =	shalt  }
0x86: {  	_ =	shalt  }
0x87: {  	_ =	shalt  }
.Lfunc_end0:
.L_simem_size_0:
called_computation_lowered:
.L_overlay_start_0:
0x88: {  	s2 =	sld [smem:$0x3FD9]  }
0x89: {  	s3 =	sld [smem:$0x3FFE];
	_ =	sdelay $0x1  }
0x8a: {  	s1 =	srdreg.scid  }
0x8b: {  	s0 =	sand.u32 $0x1, s1  }
0x8c: {  	s17 =	sshll.u32 s0, $0xA;
	s2 =	sadd.s32 s3, s2  }
0x8d: {  	s2 =	sadd.s32 s2, s17  }
0x8e: {  	[smem:$0x3FC5] =	sst s2  }
0x8f: {  	_ = 	snop  }
0x90: {  	s2 =	sld [smem:$0x3FD0];
	(tm) =	ssettm $0x1  }
0x91: {  	s18 =	sld [smem:$0x3FFB];
	_ =	sdelay $0x3  }
0x92: {  	_ =	strace s18  }
0x93: {  	s3 =	sld [smem:$0x3FFC];
	_ =	sdelay $0x3  }
0x94: {  	_ =	strace s3  }
0x95: {  	s3 =	sld [smem:$0x3FFD];
	_ =	sdelay $0x3  }
0x96: {  	_ =	strace s3  }
0x97: {  	_ =	strace $0x8FFFFFFF  }
0x98: {  	s19 =	sld [smem:$0x3FDB];
	_ =	sdelay $0x1  }
0x99: {  	s4 =	simm.s32 $_scs_section_size  }
0x9a: {  	s5 =	simm.s32 $_size__tile_overlayer_lowered;
	s6 =	simm.s32 $_tile_overlayer_lowered  }
0x9b: {  	s22 =	simm.s32 $0x1BFF;
	s21 =	sshll.u32 s6, $0x1;
	s3 =	sadd.s32 s4, s19  }
0x9c: {  	s7 =	simm.s32 $0x0;
	s20 =	sshll.u32 s5, $0x1;
	s5 =	sadd.s32 s21, s3  }
0x9d: {  	[timem:s7], [sflag:s22] =	dma.local [hbm:s5], s20  }
0x9e: {  	_ =	swait.ge [sflag:s22], s20  }
0x9f: {  	s4 =	ssub.s32 $0x0, s20;
	[sflag:s22] =	ssyncset.done $0x0  }
0xa0: {  	[sflag:s22] =	ssyncadd.s32 s4;
	_ =	sdelay $0x1  }
0xa1: {  	s23 =	simm.s32 $0x1B8B  }
0xa2: {  	_ =	swait.ge [sflag:s23], $0x1  }
0xa3: {  	[sflag:s23] =	ssyncset.done $0x0  }
0xa4: {  	s25 =	simm.s32 $0x1B8E;
	s24 =	sld [smem:$0x3FFE];
	[sflag:s23] =	ssyncadd.s32 $0xFFFFFFFF  }
0xa5: {  	s26 =	simm.s32 $execute0_lowered;
	[smem:$0x3FD2] =	sst s25  }
0xa6: {  	s5 =	sshll.u32 s26, $0x1;
	_ =	strace $0x80000046;
	[dreg:$0x1] =	wrdreg $0xFFFFFFFF  }
0xa7: {  	s28 =	simm.s32 $_size_execute0_lowered;
	s3 =	sadd.s32 s3, s5;
	[dreg:$0x0] =	wrdreg $0x0  }
0xa8: {  	s5 =	sshll.u32 s28, $0x1;
	[dreg:$0x2] =	wrdreg s3  }
0xa9: {  	[dreg:$0x3] =	wrdreg s5  }
0xaa: {  	[dreg:$0x4] =	wrdreg $0xC0  }
0xab: {  	_ =	task [dreg:s7], $0x5FFFF  }
0xac: {  	[dreg:$0x1] =	wrdreg $0xFFFFFFFF  }
0xad: {  	[dreg:$0x0] =	wrdreg $0x60  }
0xae: {  	[dreg:$0x2] =	wrdreg s2  }
0xaf: {  	[dreg:$0x3] =	wrdreg s24  }
0xb0: {  	[dreg:$0x4] =	wrdreg $0x9  }
0xb1: {  	_ =	task.clear_ibuf [dreg:s7], $0x5FFFF;
	_ =	strace $0x90000046  }
0xb2: {  	s29 =	simm.s32 $0x9;
	_ =	strace $0x80000048  }
0xb3: {  	_ =	swait.ge [sflag:s29], $0x1  }
0xb4: {  	[sflag:s29] =	ssyncadd.s32 $0xFFFFFFFF  }
0xb5: {  	_ =	strace $0x90000048  }
0xb6: {  	_ =	sfence  }
0xb7: {  	s30 =	sld [smem:$0x0];
	_ =	sdelay $0x2  }
0xb8: {  	s31 =	sshll.u32 s1, $0xD;
	s1 =	sshrl.u32 s1, $0x2  }
0xb9: {  	s3 =	sand.u32 $0x4000, s31;
	s1 =	sadd.s32 s1, s30  }
0xba: {  	s0 =	sor.u32 s3, s0;
	s1 =	sshll.u32 s1, $0x11  }
0xbb: {  	s0 =	sor.u32 s1, s0  }
0xbc: {  	s0 =	sadd.s32 $0x8F2B, s0  }
0xbd: {  	[sflag:s0] =	ssyncadd.remote.s32 $0x1  }
0xbe: {  	_ =	sfence.sel $0xFFFF  }
0xbf: {  	[dreg:$0x0] =	wrdreg $0xFFFFFFFF;
	(pc) =	sbr.abs _section_cstart, $3  }
0xc0: {  	[dreg:$0x1] =	wrdreg $0xFFFFFFFF  }
0xc1: {  	_ =	task.clear_ibuf [dreg:s7], $0x2FFFF;
	_ =	strace $0x9FFFFFFF  }
0xc2: {  	(tm) =	ssettm $0x7FFFFFFF  }
0xc3: {  	_ =	shalt  }
tec
execute0_lowered:
.L_overlay_start_1:
0x0: {  	(tag) =	ssettag $0x1  }
0x1: {  	v0 =	vimm.s32 $0x700;
	vm0 =	vcmask $0x300  }
0x2: {  	v0 =	vsel vm0, $0x800, v0;
	vm0 =	vcmask $0x704  }
0x3: {  	v0 =	vsel vm0, $0x900, v0;
	vm0 =	vcmask $0xB08  }
0x4: {  	v0 =	vsel vm0, $0xA00, v0;
	vm0 =	vcmask $0xF0C  }
0x5: {  	s5 =	rddreg [dreg:$0x0];
	v0 =	vsel vm0, $0xB00, v0;
	vm0 =	vcmask $0x1310  }
0x6: {  	s3 =	rddreg [dreg:$0x1];
	v0 =	vsel vm0, $0xC00, v0;
	vm0 =	vcmask $0x1714  }
0x7: {  	s0 =	rddreg [dreg:$0x2];
	s4 =	srdreg.scid;
	v0 =	vsel vm0, $0xD00, v0;
	vm0 =	vcmask $0x1B18  }
0x8: {  	s2 =	simm.s32 $0x0;
	s1 =	stileid.u32;
	s9 =	simm.s32 $0x3;
	v0 =	vsel vm0, $0xE00, v0;
	vm0 =	vcmask $0x1F1C  }
0x9: {  	s10 =	simm.s32 $0x2000;
	s11 =	simm.s32 $0x80;
	s12 =	simm.s32 $0x400;
	v0 =	vsel vm0, $0xF00, v0;
	vm0 =	vcmask $0x2320  }
0xa: {  	s13 =	simm.s32 $0x3000;
	s14 =	simm.s32 $0x1;
	s15 =	simm.s32 $0x2;
	v0 =	vsel vm0, $0x0, v0;
	vm0 =	vcmask $0x2724  }
0xb: {  	s16 =	simm.s32 $0x0;
	s4 =	sand.u32 $0x1, s4;
	[smem:$0x7FF] =	sst s2;
	v0 =	vsel vm0, $0x100, v0;
	vm0 =	vcmask $0x2B28  }
0xc: {  	s6 =	sshll.u32 s1, $0x6;
	s3 =	sadd.s32 $0xA00, s3;
	s7 =	sshll.u32 s4, $0x5;
	v1 =	vsel vm0, $0x200, v0;
	vm0 =	vcmask $0x2F2C  }
0xd: {  	v2 =	vlaneseq.u32;
	_ =	strace $0x80000047;
	s4 =	ssub.s32 $0x2, s4;
	s6 =	sor.u32 s7, s6;
	v1 =	vsel vm0, $0x300, v1;
	vm0 =	vcmask $0x3330  }
0xe: {  	s31 =	sshrl.u32 s4, $0x1;
	s8 =	sshll.u32 s6, $0x9;
	s6 =	sshll.u32 s6, $0x5;
	v0 =	vimm.f32 $0.0e+00;
	v3 =	vsel vm0, $0x400, v1;
	vm0 =	vcmask $0x3734  }
0xf: {  	s7 =	ssub.s32 s4, s31;
	s4 =	sadd.s32 s3, s8;
	s5 =	sadd.s32 s5, s6;
	v1 =	vmul.u32 $0x100, v2;
	v2 =	vsel vm0, $0x500, v3;
	vm0 =	vcmask $0x3B38  }
0x10: {  	s7 =	smax.u32 s7, $0x1;
	s8 =	sor.u32 $0x400, s8;
	s6 =	sadd.s32 $0x10, s4;
	v3 =	vimm.f32 $1.000000000e+00;
	v2 =	vsel vm0, $0x600, v2;
	vm0 =	vcmask $0x3F20  }
.LBB2_1:
0x11: {  	[tilespmem:s2], [sflag:$0x3] =	stream.linear.gather [hbm4b:s5+s2], $0x2000, $0x38;
	[tilespmem:$0x4000] =	vst v63  }
0x12: {  	_ =	swait.ge [sflag:s9], $0x2000  }
0x13: {  	[sflag:s9] =	ssyncset.done $0x0  }
0x14: {  	s17 =	simm.s32 $0x0;
	[sflag:s9] =	ssyncadd.s32 $0xFFFFE000  }
.LBB2_2:
0x15: {  	p0 =	sne.s32 s17, $0x3FC0  }
.Ltmp0:
0x16: {  	_ = 	snop;
	(pc) =	sbr.rel @p0 .LBB2_2-.Ltmp0, $3  }
0x17: {  	_ =	sdelay $0x1  }
0x18: {  	s18 =	sshra.s32 s17, $0x2  }
0x19: {  	s17 =	sadd.s32 $0x40, s17;
	[tilespmem:s18+$0x2000] =	vst v0  }
0x1a: {  	s17 =	simm.s32 $0x40;
	s18 =	simm.s32 $0x0  }
.LBB2_4:
0x1b: {  	p0 =	sne.s32 s17, $0x3FC0;
	[tilespmem:s18+$0x3000] =	vst v0;
	s18 =	smov.u32 s17;
	s17 =	sadd.s32 $0x40, s17  }
.Ltmp1:
0x1c: {  	(pc) =	sbr.rel @p0 .LBB2_4-.Ltmp1, $2  }
0x1d: {  	_ =	sdelay $0x2  }
0x1e: {  	s18 =	sshra.s32 s18, $0x2  }
0x1f: {  	[tilespmem:s18+$0x3000] =	vst v0  }
0x20: {  	v4 =	vld [tilespmem:$0x0]  }
0x21: {  	v5 =	vld [tilespmem:$0x10]  }
0x22: {  	v6 =	vld [tilespmem:$0x20]  }
0x23: {  	v7 =	vld [tilespmem:$0x30]  }
0x24: {  	v8 =	vld [tilespmem:$0x40]  }
0x25: {  	v9 =	vld [tilespmem:$0x50]  }
0x26: {  	v10 =	vld [tilespmem:$0x60]  }
0x27: {  	v11 =	vld [tilespmem:$0x70]  }
0x28: {  	v12 =	vld [tilespmem:$0x400];
	v4 =	vadd.s32 v1, v4  }
0x29: {  	v13 =	vld [tilespmem:$0x410];
	v5 =	vadd.s32 v1, v5  }
0x2a: {  	v14 =	vld [tilespmem:$0x420];
	v6 =	vadd.s32 v1, v6  }
0x2b: {  	v15 =	vld [tilespmem:$0x430];
	v7 =	vadd.s32 v1, v7  }
0x2c: {  	v16 =	vld [tilespmem:$0x438];
	v8 =	vadd.s32 v1, v8  }
0x2d: {  	v9 =	vadd.s32 v1, v9;
	[tilespmem:v4+s10+$0x0] =	vst.idx.add.f32.msk $0xffff, v3  }
0x2e: {  	v4 =	vadd.s32 v1, v10;
	[tilespmem:v5+s10+$0x0] =	vst.idx.add.f32.msk $0xffff, v3  }
0x2f: {  	v5 =	vadd.s32 v1, v11;
	[tilespmem:v6+s10+$0x0] =	vst.idx.add.f32.msk $0xffff, v3  }
0x30: {  	v6 =	vadd.s32 v1, v12;
	[tilespmem:v7+s10+$0x0] =	vst.idx.add.f32.msk $0xffff, v3  }
0x31: {  	v7 =	vadd.s32 v1, v13;
	[tilespmem:v8+s10+$0x0] =	vst.idx.add.f32.msk $0xffff, v3  }
0x32: {  	v8 =	vadd.s32 v1, v14;
	[tilespmem:v9+s10+$0x0] =	vst.idx.add.f32.msk $0xffff, v3  }
0x33: {  	v9 =	vadd.s32 v1, v15;
	[tilespmem:v4+s10+$0x0] =	vst.idx.add.f32.msk $0xffff, v3  }
0x34: {  	v4 =	vadd.s32 v2, v16;
	[tilespmem:v5+s10+$0x0] =	vst.idx.add.f32.msk $0xffff, v3  }
0x35: {  	[tilespmem:v6+s10+$0x0] =	vst.idx.add.f32.msk $0xffff, v3  }
0x36: {  	[tilespmem:v7+s10+$0x0] =	vst.idx.add.f32.msk $0xffff, v3  }
0x37: {  	[tilespmem:v8+s10+$0x0] =	vst.idx.add.f32.msk $0xffff, v3  }
0x38: {  	[tilespmem:v9+s10+$0x0] =	vst.idx.add.f32.msk $0xffff, v3  }
0x39: {  	[tilespmem:v4+s10+$0x0] =	vst.idx.add.f32.msk vm0, v3  }
0x3a: {  	[hbm4b:s4+s11] =	stream.strided.scatter [tilespmem:s10], [sflag:$0x1], $0x1000, s12, s11, $0x38;
	[tilespmem:$0x4000] =	vst v63  }
0x3b: {  	v4 =	vld [tilespmem:$0x80]  }
0x3c: {  	v5 =	vld [tilespmem:$0x90]  }
0x3d: {  	v6 =	vld [tilespmem:$0xA0]  }
0x3e: {  	v7 =	vld [tilespmem:$0xB0]  }
0x3f: {  	v8 =	vld [tilespmem:$0xC0]  }
0x40: {  	v9 =	vld [tilespmem:$0xD0]  }
0x41: {  	v10 =	vld [tilespmem:$0xE0]  }
0x42: {  	v11 =	vld [tilespmem:$0xF0]  }
0x43: {  	v12 =	vld [tilespmem:$0x480];
	v4 =	vadd.s32 v1, v4  }
0x44: {  	v13 =	vld [tilespmem:$0x490];
	v5 =	vadd.s32 v1, v5  }
0x45: {  	v14 =	vld [tilespmem:$0x4A0];
	v6 =	vadd.s32 v1, v6  }
0x46: {  	v15 =	vld [tilespmem:$0x4B0];
	v7 =	vadd.s32 v1, v7  }
0x47: {  	v16 =	vld [tilespmem:$0x4B8];
	v8 =	vadd.s32 v1, v8  }
0x48: {  	v9 =	vadd.s32 v1, v9;
	[tilespmem:v4+s13+$0x0] =	vst.idx.add.f32.msk $0xffff, v3  }
0x49: {  	v4 =	vadd.s32 v1, v10;
	[tilespmem:v5+s13+$0x0] =	vst.idx.add.f32.msk $0xffff, v3  }
0x4a: {  	v5 =	vadd.s32 v1, v11;
	[tilespmem:v6+s13+$0x0] =	vst.idx.add.f32.msk $0xffff, v3  }
0x4b: {  	v6 =	vadd.s32 v1, v12;
	[tilespmem:v7+s13+$0x0] =	vst.idx.add.f32.msk $0xffff, v3  }
0x4c: {  	v7 =	vadd.s32 v1, v13;
	[tilespmem:v8+s13+$0x0] =	vst.idx.add.f32.msk $0xffff, v3  }
0x4d: {  	v8 =	vadd.s32 v1, v14;
	[tilespmem:v9+s13+$0x0] =	vst.idx.add.f32.msk $0xffff, v3  }
0x4e: {  	v9 =	vadd.s32 v1, v15;
	[tilespmem:v4+s13+$0x0] =	vst.idx.add.f32.msk $0xffff, v3  }
0x4f: {  	v4 =	vadd.s32 v2, v16;
	[tilespmem:v5+s13+$0x0] =	vst.idx.add.f32.msk $0xffff, v3  }
0x50: {  	[tilespmem:v6+s13+$0x0] =	vst.idx.add.f32.msk $0xffff, v3  }
0x51: {  	[tilespmem:v7+s13+$0x0] =	vst.idx.add.f32.msk $0xffff, v3  }
0x52: {  	[tilespmem:v8+s13+$0x0] =	vst.idx.add.f32.msk $0xffff, v3  }
0x53: {  	[tilespmem:v9+s13+$0x0] =	vst.idx.add.f32.msk $0xffff, v3  }
0x54: {  	[tilespmem:v4+s13+$0x0] =	vst.idx.add.f32.msk vm0, v3  }
0x55: {  	[hbm4b:s6+s11] =	stream.strided.scatter [tilespmem:s13], [sflag:$0x2], $0x1000, s12, s11, $0x38;
	[tilespmem:$0x4000] =	vst v63  }
0x56: {  	s17 =	simm.s32 $0x0;
	s28 =	simm.s32 $0x0;
	_ =	swait.ge [sflag:s14], $0x1000  }
0x57: {  	s17 =	sand.u32 $0xFFFFF800, s17;
	s18 =	sand.u32 $0x300, s28;
	[sflag:s14] =	ssyncset.done $0x0  }
0x58: {  	s17 =	sor.u32 s18, s17;
	[sflag:s14] =	ssyncadd.s32 $0xFFFFF000  }
0x59: {  	v4 =	vld [tilespmem:s17+$0x50]  }
0x5a: {  	v5 =	vld [tilespmem:s17+$0x10]  }
0x5b: {  	v7 =	vld [tilespmem:s17+$0x0]  }
0x5c: {  	v6 =	vld [tilespmem:s17+$0x40]  }
0x5d: {  	v8 =	vld [tilespmem:s17+$0x20]  }
0x5e: {  	v9 =	vld [tilespmem:s17+$0x30]  }
0x5f: {  	v10 =	vld [tilespmem:s17+$0x60]  }
0x60: {  	v11 =	vld [tilespmem:s17+$0x70];
	v7 =	vadd.s32 v1, v7  }
0x61: {  	v12 =	vld [tilespmem:s17+$0x420];
	v5 =	vadd.s32 v1, v5  }
0x62: {  	v13 =	vld [tilespmem:s17+$0x438];
	v8 =	vadd.s32 v1, v8  }
0x63: {  	v14 =	vld [tilespmem:s17+$0x400];
	v9 =	vadd.s32 v1, v9  }
0x64: {  	v15 =	vld [tilespmem:s17+$0x410];
	v6 =	vadd.s32 v1, v6  }
0x65: {  	v16 =	vld [tilespmem:s17+$0x430];
	v4 =	vadd.s32 v1, v4;
	[tilespmem:v7+s10+$0x0] =	vst.idx.msk $0xffff, v0  }
0x66: {  	v7 =	vadd.s32 v1, v10;
	[tilespmem:v5+s10+$0x0] =	vst.idx.msk $0xffff, v0  }
0x67: {  	v5 =	vadd.s32 v1, v11;
	[tilespmem:v8+s10+$0x0] =	vst.idx.msk $0xffff, v0  }
0x68: {  	v8 =	vadd.s32 v1, v14;
	[tilespmem:v9+s10+$0x0] =	vst.idx.msk $0xffff, v0  }
0x69: {  	v9 =	vadd.s32 v1, v15;
	[tilespmem:v6+s10+$0x0] =	vst.idx.msk $0xffff, v0  }
0x6a: {  	v6 =	vadd.s32 v1, v12;
	[tilespmem:v4+s10+$0x0] =	vst.idx.msk $0xffff, v0  }
0x6b: {  	v4 =	vadd.s32 v1, v16;
	[tilespmem:v7+s10+$0x0] =	vst.idx.msk $0xffff, v0  }
0x6c: {  	v7 =	vadd.s32 v2, v13;
	[tilespmem:v5+s10+$0x0] =	vst.idx.msk $0xffff, v0  }
0x6d: {  	[tilespmem:v8+s10+$0x0] =	vst.idx.msk $0xffff, v0  }
0x6e: {  	[tilespmem:v9+s10+$0x0] =	vst.idx.msk $0xffff, v0  }
0x6f: {  	s29 =	simm.s32 $0x100;
	s17 =	simm.s32 $0x200;
	[tilespmem:v6+s10+$0x0] =	vst.idx.msk $0xffff, v0  }
0x70: {  	s18 =	sand.u32 $0x300, s29;
	s19 =	sand.u32 $0x1800, s17;
	[tilespmem:v4+s10+$0x0] =	vst.idx.msk $0xffff, v0  }
0x71: {  	s20 =	sor.u32 s18, s19;
	[tilespmem:v7+s10+$0x0] =	vst.idx.msk vm0, v0  }
0x72: {  	v4 =	vld [tilespmem:s20+$0x20]  }
0x73: {  	v5 =	vld [tilespmem:s20+$0x30]  }
0x74: {  	v6 =	vld [tilespmem:s20+$0x40]  }
0x75: {  	v7 =	vld [tilespmem:s20+$0x0]  }
0x76: {  	v8 =	vld [tilespmem:s20+$0x10]  }
0x77: {  	v9 =	vld [tilespmem:s20+$0x50]  }
0x78: {  	v10 =	vld [tilespmem:s20+$0x60]  }
0x79: {  	v11 =	vld [tilespmem:s20+$0x70]  }
0x7a: {  	v12 =	vld [tilespmem:s20+$0x400];
	v7 =	vadd.s32 v1, v7  }
0x7b: {  	v13 =	vld [tilespmem:s20+$0x410];
	v8 =	vadd.s32 v1, v8  }
0x7c: {  	v14 =	vld [tilespmem:s20+$0x420];
	v4 =	vadd.s32 v1, v4  }
0x7d: {  	v15 =	vld [tilespmem:s20+$0x430];
	v5 =	vadd.s32 v1, v5  }
0x7e: {  	v16 =	vld [tilespmem:s20+$0x438];
	v6 =	vadd.s32 v1, v6  }
0x7f: {  	v9 =	vadd.s32 v1, v9;
	[tilespmem:v7+s10+$0x0] =	vst.idx.add.f32.msk $0xffff, v3  }
0x80: {  	v7 =	vadd.s32 v1, v10;
	[tilespmem:v8+s10+$0x0] =	vst.idx.add.f32.msk $0xffff, v3  }
0x81: {  	v8 =	vadd.s32 v1, v11;
	[tilespmem:v4+s10+$0x0] =	vst.idx.add.f32.msk $0xffff, v3  }
0x82: {  	v4 =	vadd.s32 v1, v12;
	[tilespmem:v5+s10+$0x0] =	vst.idx.add.f32.msk $0xffff, v3  }
0x83: {  	v5 =	vadd.s32 v1, v13;
	[tilespmem:v6+s10+$0x0] =	vst.idx.add.f32.msk $0xffff, v3  }
0x84: {  	v6 =	vadd.s32 v1, v14;
	[tilespmem:v9+s10+$0x0] =	vst.idx.add.f32.msk $0xffff, v3  }
0x85: {  	v9 =	vadd.s32 v1, v15;
	[tilespmem:v7+s10+$0x0] =	vst.idx.add.f32.msk $0xffff, v3  }
0x86: {  	v7 =	vadd.s32 v2, v16;
	[tilespmem:v8+s10+$0x0] =	vst.idx.add.f32.msk $0xffff, v3  }
0x87: {  	[tilespmem:v4+s10+$0x0] =	vst.idx.add.f32.msk $0xffff, v3  }
0x88: {  	s18 =	simm.s32 $0x20;
	[tilespmem:v5+s10+$0x0] =	vst.idx.add.f32.msk $0xffff, v3  }
0x89: {  	s30 =	sand.u32 $0x60, s18;
	[tilespmem:v6+s10+$0x0] =	vst.idx.add.f32.msk $0xffff, v3  }
0x8a: {  	s21 =	sand.u32 $0x7F000, s8;
	s19 =	sadd.s32 s3, s30;
	[tilespmem:v9+s10+$0x0] =	vst.idx.add.f32.msk $0xffff, v3  }
0x8b: {  	s21 =	sadd.s32 s21, s19;
	[tilespmem:v7+s10+$0x0] =	vst.idx.add.f32.msk vm0, v3  }
0x8c: {  	[hbm4b:s21+s11] =	stream.strided.scatter [tilespmem:s10], [sflag:$0x1], $0x1000, s12, s11, $0x38;
	[tilespmem:$0x4000] =	vst v63  }
0x8d: {  	s31 =	simm.s32 $0x100;
	s22 =	simm.s32 $0x80;
	_ =	swait.ge [sflag:s15], $0x1000  }
0x8e: {  	s22 =	sand.u32 $0x380, s22;
	s19 =	sand.u32 $0xFFFFF800, s31;
	[sflag:s15] =	ssyncset.done $0x0  }
0x8f: {  	s19 =	sor.u32 s22, s19;
	[sflag:s15] =	ssyncadd.s32 $0xFFFFF000  }
0x90: {  	v4 =	vld [tilespmem:s19+$0x30]  }
0x91: {  	v5 =	vld [tilespmem:s19+$0x20]  }
0x92: {  	v7 =	vld [tilespmem:s19+$0x0]  }
0x93: {  	v6 =	vld [tilespmem:s19+$0x10]  }
0x94: {  	v8 =	vld [tilespmem:s19+$0x40]  }
0x95: {  	v9 =	vld [tilespmem:s19+$0x50]  }
0x96: {  	v10 =	vld [tilespmem:s19+$0x60]  }
0x97: {  	v11 =	vld [tilespmem:s19+$0x70];
	v7 =	vadd.s32 v1, v7  }
0x98: {  	v12 =	vld [tilespmem:s19+$0x400];
	v6 =	vadd.s32 v1, v6  }
0x99: {  	v13 =	vld [tilespmem:s19+$0x410];
	v5 =	vadd.s32 v1, v5  }
0x9a: {  	v14 =	vld [tilespmem:s19+$0x420];
	v4 =	vadd.s32 v1, v4  }
0x9b: {  	v15 =	vld [tilespmem:s19+$0x430];
	v8 =	vadd.s32 v1, v8  }
0x9c: {  	v16 =	vld [tilespmem:s19+$0x438];
	v9 =	vadd.s32 v1, v9;
	[tilespmem:v7+s13+$0x0] =	vst.idx.msk $0xffff, v0  }
0x9d: {  	v7 =	vadd.s32 v1, v10;
	[tilespmem:v6+s13+$0x0] =	vst.idx.msk $0xffff, v0  }
0x9e: {  	v6 =	vadd.s32 v1, v11;
	[tilespmem:v5+s13+$0x0] =	vst.idx.msk $0xffff, v0  }
0x9f: {  	v5 =	vadd.s32 v1, v12;
	[tilespmem:v4+s13+$0x0] =	vst.idx.msk $0xffff, v0  }
0xa0: {  	v4 =	vadd.s32 v1, v13;
	[tilespmem:v8+s13+$0x0] =	vst.idx.msk $0xffff, v0  }
0xa1: {  	v8 =	vadd.s32 v1, v14;
	[tilespmem:v9+s13+$0x0] =	vst.idx.msk $0xffff, v0  }
0xa2: {  	v9 =	vadd.s32 v1, v15;
	[tilespmem:v7+s13+$0x0] =	vst.idx.msk $0xffff, v0  }
0xa3: {  	v7 =	vadd.s32 v2, v16;
	[tilespmem:v6+s13+$0x0] =	vst.idx.msk $0xffff, v0  }
0xa4: {  	[tilespmem:v5+s13+$0x0] =	vst.idx.msk $0xffff, v0  }
0xa5: {  	[tilespmem:v4+s13+$0x0] =	vst.idx.msk $0xffff, v0  }
0xa6: {  	[tilespmem:v8+s13+$0x0] =	vst.idx.msk $0xffff, v0  }
0xa7: {  	[tilespmem:v9+s13+$0x0] =	vst.idx.msk $0xffff, v0  }
0xa8: {  	[tilespmem:v7+s13+$0x0] =	vst.idx.msk vm0, v0  }
0xa9: {  	v5 =	vld [tilespmem:s20+$0xB0]  }
0xaa: {  	v4 =	vld [tilespmem:s20+$0x90]  }
0xab: {  	v7 =	vld [tilespmem:s20+$0xA0]  }
0xac: {  	v12 =	vld [tilespmem:s20+$0x80]  }
0xad: {  	v13 =	vld [tilespmem:s20+$0xC0]  }
0xae: {  	v14 =	vld [tilespmem:s20+$0xD0]  }
0xaf: {  	v15 =	vld [tilespmem:s20+$0xE0]  }
0xb0: {  	v11 =	vld [tilespmem:s20+$0xF0]  }
0xb1: {  	v8 =	vld [tilespmem:s20+$0x480];
	v16 =	vadd.s32 v1, v12  }
0xb2: {  	v6 =	vld [tilespmem:s20+$0x490];
	v10 =	vadd.s32 v1, v4  }
0xb3: {  	v4 =	vld [tilespmem:s20+$0x4B0];
	v9 =	vadd.s32 v1, v7  }
0xb4: {  	v12 =	vadd.s32 v1, v5;
	v5 =	vld [tilespmem:s20+$0x4B8]  }
0xb5: {  	s19 =	simm.s32 $0x200;
	v13 =	vadd.s32 v1, v13;
	v7 =	vadd.s32 v1, v15;
	v14 =	vadd.s32 v1, v14;
	v15 =	vld [tilespmem:s20+$0x4A0];
	s20 =	smov.u32 s8  }
.LBB2_6:
0xb6: {  	[tilespmem:v16+s13+$0x0] =	vst.idx.add.f32.msk $0xffff, v3;
	s18 =	sadd.s32 $0x20, s18;
	s17 =	sadd.s32 $0x200, s17;
	s20 =	sadd.s32 $0x400, s20  }
0xb7: {  	p0 =	sne.s32 s19, $0xF00;
	v11 =	vadd.s32 v1, v11;
	s22 =	smov.u32 s19;
	s19 =	sadd.s32 $0x100, s19;
	[tilespmem:v10+s13+$0x0] =	vst.idx.add.f32.msk $0xffff, v3  }
0xb8: {  	v8 =	vadd.s32 v1, v8;
	[tilespmem:v9+s13+$0x0] =	vst.idx.add.f32.msk $0xffff, v3  }
0xb9: {  	v6 =	vadd.s32 v1, v6;
	[tilespmem:v12+s13+$0x0] =	vst.idx.add.f32.msk $0xffff, v3  }
0xba: {  	v9 =	vadd.s32 v1, v15;
	[tilespmem:v13+s13+$0x0] =	vst.idx.add.f32.msk $0xffff, v3  }
0xbb: {  	v4 =	vadd.s32 v1, v4;
	[tilespmem:v14+s13+$0x0] =	vst.idx.add.f32.msk $0xffff, v3  }
0xbc: {  	v5 =	vadd.s32 v2, v5;
	[tilespmem:v7+s13+$0x0] =	vst.idx.add.f32.msk $0xffff, v3  }
0xbd: {  	[tilespmem:v11+s13+$0x0] =	vst.idx.add.f32.msk $0xffff, v3  }
0xbe: {  	[tilespmem:v8+s13+$0x0] =	vst.idx.add.f32.msk $0xffff, v3  }
0xbf: {  	[tilespmem:v6+s13+$0x0] =	vst.idx.add.f32.msk $0xffff, v3  }
0xc0: {  	[tilespmem:v9+s13+$0x0] =	vst.idx.add.f32.msk $0xffff, v3  }
0xc1: {  	s21 =	sadd.s32 $0x10, s21;
	[tilespmem:v4+s13+$0x0] =	vst.idx.add.f32.msk $0xffff, v3  }
0xc2: {  	[tilespmem:v5+s13+$0x0] =	vst.idx.add.f32.msk vm0, v3  }
0xc3: {  	[hbm4b:s21+s11] =	stream.strided.scatter [tilespmem:s13], [sflag:$0x2], $0x1000, s12, s11, $0x38;
	[tilespmem:$0x4000] =	vst v63  }
0xc4: {  	s23 =	sadd.s32 $0xFFFFFF00, s22;
	s21 =	sadd.s32 $0xFFFFFE00, s17;
	_ =	swait.ge [sflag:s14], $0x1000  }
0xc5: {  	s23 =	sand.u32 $0x300, s23;
	s21 =	sand.u32 $0xFFFFF800, s21;
	[sflag:s14] =	ssyncset.done $0x0  }
0xc6: {  	s21 =	sor.u32 s23, s21;
	[sflag:s14] =	ssyncadd.s32 $0xFFFFF000  }
0xc7: {  	v4 =	vld [tilespmem:s21+$0x50]  }
0xc8: {  	v5 =	vld [tilespmem:s21+$0x10]  }
0xc9: {  	v6 =	vld [tilespmem:s21+$0x40]  }
0xca: {  	v7 =	vld [tilespmem:s21+$0x0]  }
0xcb: {  	v8 =	vld [tilespmem:s21+$0x20]  }
0xcc: {  	v9 =	vld [tilespmem:s21+$0x30]  }
0xcd: {  	v5 =	vadd.s32 v1, v5;
	v10 =	vld [tilespmem:s21+$0x60]  }
0xce: {  	v11 =	vld [tilespmem:s21+$0x70]  }
0xcf: {  	v7 =	vadd.s32 v1, v7;
	v12 =	vld [tilespmem:s21+$0x420]  }
0xd0: {  	v8 =	vadd.s32 v1, v8;
	v13 =	vld [tilespmem:s21+$0x438]  }
0xd1: {  	v4 =	vadd.s32 v1, v4;
	v9 =	vadd.s32 v1, v9;
	v14 =	vld [tilespmem:s21+$0x400]  }
0xd2: {  	v6 =	vadd.s32 v1, v6;
	v10 =	vadd.s32 v1, v10;
	v15 =	vld [tilespmem:s21+$0x410]  }
0xd3: {  	v11 =	vadd.s32 v1, v11;
	v16 =	vld [tilespmem:s21+$0x430]  }
0xd4: {  	[tilespmem:v7+s10+$0x0] =	vst.idx.msk $0xffff, v0  }
0xd5: {  	[tilespmem:v5+s10+$0x0] =	vst.idx.msk $0xffff, v0  }
0xd6: {  	v5 =	vadd.s32 v1, v14;
	[tilespmem:v8+s10+$0x0] =	vst.idx.msk $0xffff, v0  }
0xd7: {  	v7 =	vadd.s32 v1, v15;
	[tilespmem:v9+s10+$0x0] =	vst.idx.msk $0xffff, v0  }
0xd8: {  	v8 =	vadd.s32 v1, v12;
	v9 =	vadd.s32 v2, v13;
	[tilespmem:v6+s10+$0x0] =	vst.idx.msk $0xffff, v0  }
0xd9: {  	[tilespmem:v4+s10+$0x0] =	vst.idx.msk $0xffff, v0  }
0xda: {  	v4 =	vadd.s32 v1, v16;
	[tilespmem:v10+s10+$0x0] =	vst.idx.msk $0xffff, v0  }
0xdb: {  	[tilespmem:v11+s10+$0x0] =	vst.idx.msk $0xffff, v0  }
0xdc: {  	[tilespmem:v5+s10+$0x0] =	vst.idx.msk $0xffff, v0  }
0xdd: {  	[tilespmem:v7+s10+$0x0] =	vst.idx.msk $0xffff, v0  }
0xde: {  	[tilespmem:v8+s10+$0x0] =	vst.idx.msk $0xffff, v0  }
0xdf: {  	s23 =	sand.u32 $0x300, s22;
	s21 =	sand.u32 $0x1800, s17;
	[tilespmem:v4+s10+$0x0] =	vst.idx.msk $0xffff, v0  }
0xe0: {  	s23 =	sor.u32 s23, s21;
	[tilespmem:v9+s10+$0x0] =	vst.idx.msk vm0, v0  }
0xe1: {  	v4 =	vld [tilespmem:s23+$0x20]  }
0xe2: {  	v5 =	vld [tilespmem:s23+$0x30]  }
0xe3: {  	v6 =	vld [tilespmem:s23+$0x40]  }
0xe4: {  	v7 =	vld [tilespmem:s23+$0x10]  }
0xe5: {  	v8 =	vld [tilespmem:s23+$0x0]  }
0xe6: {  	v9 =	vld [tilespmem:s23+$0x50]  }
0xe7: {  	v10 =	vld [tilespmem:s23+$0x60]  }
0xe8: {  	v4 =	vadd.s32 v1, v4;
	v11 =	vld [tilespmem:s23+$0x70]  }
0xe9: {  	v5 =	vadd.s32 v1, v5;
	v12 =	vld [tilespmem:s23+$0x400]  }
0xea: {  	v6 =	vadd.s32 v1, v6;
	v7 =	vadd.s32 v1, v7;
	v8 =	vadd.s32 v1, v8;
	v13 =	vld [tilespmem:s23+$0x410]  }
0xeb: {  	v9 =	vadd.s32 v1, v9;
	v14 =	vld [tilespmem:s23+$0x420]  }
0xec: {  	v10 =	vadd.s32 v1, v10;
	v15 =	vld [tilespmem:s23+$0x430]  }
0xed: {  	v11 =	vadd.s32 v1, v11;
	v16 =	vld [tilespmem:s23+$0x438];
	_ =	sdelay $0x1  }
0xee: {  	[tilespmem:v8+s10+$0x0] =	vst.idx.add.f32.msk $0xffff, v3  }
0xef: {  	[tilespmem:v7+s10+$0x0] =	vst.idx.add.f32.msk $0xffff, v3  }
0xf0: {  	[tilespmem:v4+s10+$0x0] =	vst.idx.add.f32.msk $0xffff, v3  }
0xf1: {  	v4 =	vadd.s32 v1, v12;
	[tilespmem:v5+s10+$0x0] =	vst.idx.add.f32.msk $0xffff, v3  }
0xf2: {  	v5 =	vadd.s32 v1, v13;
	[tilespmem:v6+s10+$0x0] =	vst.idx.add.f32.msk $0xffff, v3  }
0xf3: {  	v6 =	vadd.s32 v1, v14;
	[tilespmem:v9+s10+$0x0] =	vst.idx.add.f32.msk $0xffff, v3  }
0xf4: {  	v7 =	vadd.s32 v1, v15;
	[tilespmem:v10+s10+$0x0] =	vst.idx.add.f32.msk $0xffff, v3  }
0xf5: {  	v8 =	vadd.s32 v2, v16;
	[tilespmem:v11+s10+$0x0] =	vst.idx.add.f32.msk $0xffff, v3  }
0xf6: {  	[tilespmem:v4+s10+$0x0] =	vst.idx.add.f32.msk $0xffff, v3  }
0xf7: {  	[tilespmem:v5+s10+$0x0] =	vst.idx.add.f32.msk $0xffff, v3  }
0xf8: {  	s21 =	sand.u32 $0x60, s18;
	[tilespmem:v6+s10+$0x0] =	vst.idx.add.f32.msk $0xffff, v3  }
0xf9: {  	s24 =	sand.u32 $0x7F000, s20;
	s21 =	sadd.s32 s3, s21;
	[tilespmem:v7+s10+$0x0] =	vst.idx.add.f32.msk $0xffff, v3  }
0xfa: {  	s21 =	sadd.s32 s24, s21;
	[tilespmem:v8+s10+$0x0] =	vst.idx.add.f32.msk vm0, v3  }
0xfb: {  	[hbm4b:s21+s11] =	stream.strided.scatter [tilespmem:s10], [sflag:$0x1], $0x1000, s12, s11, $0x38;
	[tilespmem:$0x4000] =	vst v63  }
0xfc: {  	s22 =	sadd.s32 $0xFFFFFF80, s22;
	s24 =	sadd.s32 $0xFFFFFF00, s17;
	_ =	swait.ge [sflag:s15], $0x1000  }
0xfd: {  	s22 =	sand.u32 $0x380, s22;
	s24 =	sand.u32 $0xFFFFF800, s24;
	[sflag:s15] =	ssyncset.done $0x0  }
0xfe: {  	s22 =	sor.u32 s22, s24;
	[sflag:s15] =	ssyncadd.s32 $0xFFFFF000  }
0xff: {  	v4 =	vld [tilespmem:s22+$0x30]  }
0x100: {  	v5 =	vld [tilespmem:s22+$0x20]  }
0x101: {  	v6 =	vld [tilespmem:s22+$0x10]  }
0x102: {  	v7 =	vld [tilespmem:s22+$0x0]  }
0x103: {  	v8 =	vld [tilespmem:s22+$0x40]  }
0x104: {  	v9 =	vld [tilespmem:s22+$0x50]  }
0x105: {  	v10 =	vld [tilespmem:s22+$0x60]  }
0x106: {  	v5 =	vadd.s32 v1, v5;
	v11 =	vld [tilespmem:s22+$0x70]  }
0x107: {  	v4 =	vadd.s32 v1, v4;
	v7 =	vadd.s32 v1, v7;
	v12 =	vld [tilespmem:s22+$0x400]  }
0x108: {  	v6 =	vadd.s32 v1, v6;
	v8 =	vadd.s32 v1, v8;
	v13 =	vld [tilespmem:s22+$0x410]  }
0x109: {  	v9 =	vadd.s32 v1, v9;
	v14 =	vld [tilespmem:s22+$0x420]  }
0x10a: {  	v10 =	vadd.s32 v1, v10;
	v15 =	vld [tilespmem:s22+$0x430]  }
0x10b: {  	v11 =	vadd.s32 v1, v11;
	v16 =	vld [tilespmem:s22+$0x438]  }
0x10c: {  	v12 =	vadd.s32 v1, v12;
	[tilespmem:v7+s13+$0x0] =	vst.idx.msk $0xffff, v0  }
0x10d: {  	[tilespmem:v6+s13+$0x0] =	vst.idx.msk $0xffff, v0  }
0x10e: {  	v6 =	vadd.s32 v1, v13;
	[tilespmem:v5+s13+$0x0] =	vst.idx.msk $0xffff, v0  }
0x10f: {  	[tilespmem:v4+s13+$0x0] =	vst.idx.msk $0xffff, v0  }
0x110: {  	v4 =	vadd.s32 v1, v14;
	[tilespmem:v8+s13+$0x0] =	vst.idx.msk $0xffff, v0  }
0x111: {  	[tilespmem:v9+s13+$0x0] =	vst.idx.msk $0xffff, v0  }
0x112: {  	v5 =	vadd.s32 v1, v15;
	[tilespmem:v10+s13+$0x0] =	vst.idx.msk $0xffff, v0  }
0x113: {  	v7 =	vadd.s32 v2, v16;
	[tilespmem:v11+s13+$0x0] =	vst.idx.msk $0xffff, v0  }
0x114: {  	[tilespmem:v12+s13+$0x0] =	vst.idx.msk $0xffff, v0  }
0x115: {  	[tilespmem:v6+s13+$0x0] =	vst.idx.msk $0xffff, v0  }
0x116: {  	[tilespmem:v4+s13+$0x0] =	vst.idx.msk $0xffff, v0  }
0x117: {  	[tilespmem:v5+s13+$0x0] =	vst.idx.msk $0xffff, v0  }
0x118: {  	[tilespmem:v7+s13+$0x0] =	vst.idx.msk vm0, v0  }
0x119: {  	v4 =	vld [tilespmem:s23+$0xB0]  }
0x11a: {  	v5 =	vld [tilespmem:s23+$0x90]  }
0x11b: {  	v6 =	vld [tilespmem:s23+$0xA0]  }
0x11c: {  	v7 =	vld [tilespmem:s23+$0x80]  }
0x11d: {  	v13 =	vld [tilespmem:s23+$0xC0]  }
0x11e: {  	v14 =	vld [tilespmem:s23+$0xD0]  }
0x11f: {  	v10 =	vadd.s32 v1, v5;
	v5 =	vld [tilespmem:s23+$0xE0]  }
0x120: {  	v9 =	vadd.s32 v1, v6;
	v11 =	vld [tilespmem:s23+$0xF0]  }
.Ltmp2:
0x121: {  	v16 =	vadd.s32 v1, v7;
	v8 =	vld [tilespmem:s23+$0x480];
	(pc) =	sbr.rel @p0 .LBB2_6-.Ltmp2, $4  }
0x122: {  	v6 =	vld [tilespmem:s23+$0x490]  }
0x123: {  	v12 =	vadd.s32 v1, v4;
	v4 =	vld [tilespmem:s23+$0x4B0]  }
0x124: {  	v13 =	vadd.s32 v1, v13;
	v7 =	vadd.s32 v1, v5;
	v5 =	vld [tilespmem:s23+$0x4B8]  }
0x125: {  	v14 =	vadd.s32 v1, v14;
	v15 =	vld [tilespmem:s23+$0x4A0]  }
0x126: {  	_ =	sdelay $0x3  }
0x127: {  	[tilespmem:v16+s13+$0x0] =	vst.idx.add.f32.msk $0xffff, v3  }
0x128: {  	[tilespmem:v10+s13+$0x0] =	vst.idx.add.f32.msk $0xffff, v3  }
0x129: {  	v62 =	vadd.s32 v1, v11;
	[tilespmem:v9+s13+$0x0] =	vst.idx.add.f32.msk $0xffff, v3  }
0x12a: {  	v8 =	vadd.s32 v1, v8;
	[tilespmem:v12+s13+$0x0] =	vst.idx.add.f32.msk $0xffff, v3  }
0x12b: {  	v6 =	vadd.s32 v1, v6;
	[tilespmem:v13+s13+$0x0] =	vst.idx.add.f32.msk $0xffff, v3  }
0x12c: {  	v63 =	vadd.s32 v1, v15;
	[tilespmem:v14+s13+$0x0] =	vst.idx.add.f32.msk $0xffff, v3  }
0x12d: {  	v4 =	vadd.s32 v1, v4;
	[tilespmem:v7+s13+$0x0] =	vst.idx.add.f32.msk $0xffff, v3  }
0x12e: {  	v5 =	vadd.s32 v2, v5;
	[tilespmem:v62+s13+$0x0] =	vst.idx.add.f32.msk $0xffff, v3  }
0x12f: {  	[tilespmem:v8+s13+$0x0] =	vst.idx.add.f32.msk $0xffff, v3  }
0x130: {  	[tilespmem:v6+s13+$0x0] =	vst.idx.add.f32.msk $0xffff, v3  }
0x131: {  	[tilespmem:v63+s13+$0x0] =	vst.idx.add.f32.msk $0xffff, v3  }
0x132: {  	[tilespmem:v4+s13+$0x0] =	vst.idx.add.f32.msk $0xffff, v3  }
0x133: {  	s17 =	sadd.s32 $0x10, s21;
	s16 =	sadd.s32 $0x1, s16;
	[tilespmem:v5+s13+$0x0] =	vst.idx.add.f32.msk vm0, v3  }
0x134: {  	[hbm4b:s17+s11] =	stream.strided.scatter [tilespmem:s13], [sflag:$0x2], $0x1000, s12, s11, $0x38;
	[tilespmem:$0x4000] =	vst v63  }
0x135: {  	p0 =	sne.s32 s16, s7;
	_ =	swait.ge [sflag:s14], $0x1000  }
.Ltmp3:
0x136: {  	[sflag:s14] =	ssyncset.done $0x0;
	(pc) =	sbr.rel @p0 .LBB2_1-.Ltmp3, $4  }
0x137: {  	[sflag:s14] =	ssyncadd.s32 $0xFFFFF000  }
0x138: {  	_ =	swait.ge [sflag:s15], $0x1000  }
0x139: {  	[sflag:s15] =	ssyncset.done $0x0  }
0x13a: {  	[sflag:s15] =	ssyncadd.s32 $0xFFFFF000  }
0x13b: {  	_ =	sfence.sel $0x180000  }
0x13c: {  	[bflag:$0x0] =	sbarrier.arrive $0xFFFF  }
0x13d: {  	p0 =	sne.s32 s1, $0x0;
	_ =	strace $0x90000047  }
0x13e: {  	s0 =	sadd.s32 @!p0 $0x100000, s0;
	[bflag:$0x2] =	sbarrier.arrive $0xFFFF  }
0x13f: {  	[sflag:s0] =	ssyncadd.tile.s32 @!p0 $0x1;
	_ =	shalt  }
.Lfunc_end2:
_tile_overlayer_lowered:
.L_overlay_start_2:
0x140: {  	(tag) =	ssettag $0x2  }
0x141: {  	s0 =	rddreg [dreg:$0x0];
	s2 =	stileid.u32  }
0x142: {  	s1 =	rddreg [dreg:$0x1];
	p0 =	sne.s32 s2, $0x0  }
0x143: {  	s3 =	rddreg [dreg:$0x2];
	[bflag:$0x3] =	sbarrier.arrive $0xFFFF;
	s2 =	simm.s32 @!p0 $0x1C03  }
0x144: {  	[timem:s3], [sflag:s2] =	dma.local @!p0 [hbm:s0], s1  }
0x145: {  	s0 =	simm.s32 @!p0 $0x3  }
0x146: {  	_ =	swait.ge @!p0 [sflag:s0], s1  }
0x147: {  	s1 =	ssub.s32 @!p0 $0x0, s1;
	[sflag:s0] =	ssyncset.done @!p0 $0x0  }
0x148: {  	[sflag:s0] =	ssyncadd.s32 @!p0 s1  }
0x149: {  	[bflag:$0x3] =	sbarrier.arrive $0xFFFF  }
0x14a: {  	_ =	shalt  }

</sc_bundles>
